<compile_context>
chip_gen: v7x
topology: tpu7x:2x2x1
jax: 0.10.2.dev20260603
libtpu: 0.0.44.dev20260713+nightly
codegen_flags: <defaults>
</compile_context>

<pallas_src>
import functools

import jax
import jax.numpy as jnp
from jax import lax
from jax.experimental import pallas as pl
from jax.experimental.pallas import tpu as pltpu
from jax.experimental.pallas import tpu_sc as plsc

N = 10000
D = 128
E = 320000
NW = 32
EPW = 10240
EPAD = NW * EPW
C = 128
NCHUNK = EPW // C
NACC = 10240
RPT = NACC // 16
HALF = NCHUNK // 2

_mesh = plsc.VectorSubcoreMesh(core_axis_name="c", subcore_axis_name="s")


def _edge_body(hs_hbm, src_hbm, dst_hbm, out_hbm, acc_sh, srcv, dstv,
               rows0, rows1, gs0, gs1, ss0, ss1, isem):
    cid = lax.axis_index("c")
    sid = lax.axis_index("s")
    wid = sid * 2 + cid
    rows = (rows0, rows1)
    gs = (gs0, gs1)
    ss = (ss0, ss1)

    def _z(i, _):
        rows0[i // 8, pl.ds((i % 8) * 16, 16)] = jnp.zeros((16,), jnp.float32)
        return 0
    lax.fori_loop(0, C * 8, _z, 0)
    def _zc(j, _):
        pltpu.sync_copy(rows0, acc_sh.at[pl.ds((sid * 5 + j) * C, C)])
        return 0
    lax.fori_loop(0, 5, _zc, 0)
    plsc.subcore_barrier()

    def gather(j, b):
        return pltpu.async_copy(hs_hbm.at[srcv.at[j]], rows[b], gs[b])

    def scatter(j, b):
        return pltpu.async_copy(rows[b], acc_sh.at[dstv.at[j]], ss[b],
                                add=True)

    for h in range(NCHUNK // HALF):
        hb = wid * NCHUNK + h * HALF
        pltpu.async_copy(src_hbm.at[pl.ds(hb, HALF)], srcv, isem).wait()
        pltpu.async_copy(dst_hbm.at[pl.ds(hb, HALF)], dstv, isem).wait()
        gather(0, 0)
        gather(1, 1)

        def body(k, _):
            i = k * 2
            for b in range(2):
                j = i + b
                pltpu.make_async_copy(hs_hbm.at[srcv.at[j]], rows[b],
                                      gs[b]).wait()
                scatter(j, b)
                pltpu.make_async_copy(rows[b], acc_sh.at[dstv.at[j]],
                                      ss[b]).wait()
                gather(j + 2, b)
            return 0

        lax.fori_loop(0, (HALF - 2) // 2, body, 0)
        for b in range(2):
            j = HALF - 2 + b
            pltpu.make_async_copy(hs_hbm.at[srcv.at[j]], rows[b], gs[b]).wait()
            scatter(j, b)
            pltpu.make_async_copy(rows[b], acc_sh.at[dstv.at[j]], ss[b]).wait()

    plsc.subcore_barrier()
    pltpu.sync_copy(acc_sh.at[pl.ds(sid * RPT, RPT)],
                    out_hbm.at[cid, pl.ds(sid * RPT, RPT)])


@functools.partial(jax.jit, donate_argnums=())
def _edge_pass(hs, src2d, dst2d):
    return pl.kernel(
        _edge_body,
        out_type=jax.ShapeDtypeStruct((2, NACC, D), jnp.float32),
        mesh=_mesh,
        scratch_types=[
            pltpu.VMEM_SHARED((NACC, D), jnp.float32),
            pltpu.VMEM((HALF, C), jnp.int32),
            pltpu.VMEM((HALF, C), jnp.int32),
            pltpu.VMEM((C, D), jnp.float32),
            pltpu.VMEM((C, D), jnp.float32),
            pltpu.SemaphoreType.DMA,
            pltpu.SemaphoreType.DMA,
            pltpu.SemaphoreType.DMA,
            pltpu.SemaphoreType.DMA,
            pltpu.SemaphoreType.DMA,
        ],
    )(hs, src2d, dst2d)


DEB = 64


def _tcdeg_body(hi_ref, lo_ref, acc_ref):
    @pl.when(pl.program_id(0) == 0)
    def _():
        acc_ref[...] = jnp.zeros_like(acc_ref)
    kcol = lax.broadcasted_iota(jnp.int32, (80, 1), 0)
    lcol = lax.broadcasted_iota(jnp.int32, (128, 1), 0)
    tot = jnp.zeros((80, 128), jnp.float32)
    G = 8
    for g in range(DEB // G):
        a = jnp.concatenate(
            [(hi_ref[j:j + 1, :] == kcol).astype(jnp.bfloat16)
             for j in range(g * G, (g + 1) * G)], axis=1)
        bt = jnp.concatenate(
            [(lo_ref[j:j + 1, :] == lcol).astype(jnp.bfloat16)
             for j in range(g * G, (g + 1) * G)], axis=1)
        tot = tot + lax.dot_general(a, bt, (((1,), (1,)), ((), ())),
                                    preferred_element_type=jnp.float32)
    acc_ref[...] += tot


def _deg_pass(dhi, dlo):
    return pl.pallas_call(
        _tcdeg_body,
        grid=(EPAD // (DEB * 128),),
        in_specs=[pl.BlockSpec((DEB, 128), lambda i: (i, 0)),
                  pl.BlockSpec((DEB, 128), lambda i: (i, 0))],
        out_specs=pl.BlockSpec((80, 128), lambda i: (0, 0)),
        out_shape=jax.ShapeDtypeStruct((80, 128), jnp.float32),
    )(dhi, dlo)



BR = 400
GRID = N // BR


def _dinv_block(degs):
    return lax.rsqrt(degs[...] + 1.0)


def _tc1_body(x_ref, w_ref, degs_ref, hs_ref):
    dinv = _dinv_block(degs_ref)
    h = jnp.dot(x_ref[...], w_ref[...], precision=lax.Precision.HIGHEST,
                preferred_element_type=jnp.float32)
    hs_ref[...] = h * dinv


def _tc1(x, W1, degs):
    return pl.pallas_call(
        _tc1_body,
        grid=(GRID,),
        in_specs=[
            pl.BlockSpec((BR, D), lambda i: (i, 0)),
            pl.BlockSpec((D, D), lambda i: (0, 0)),
            pl.BlockSpec((BR, 1), lambda i: (i, 0)),
        ],
        out_specs=pl.BlockSpec((BR, D), lambda i: (i, 0)),
        out_shape=jax.ShapeDtypeStruct((N, D), jnp.float32),
    )(x, W1, degs)


def _tc2_body(acc_ref, hs_ref, degs_ref, b_ref, w_ref, hs2_ref):
    dinv = _dinv_block(degs_ref)
    z = dinv * (acc_ref[0] + acc_ref[1] + hs_ref[...]) + b_ref[...]
    z = jnp.maximum(z, 0.0)
    h2 = jnp.dot(z, w_ref[...], precision=lax.Precision.HIGHEST,
                 preferred_element_type=jnp.float32)
    hs2_ref[...] = h2 * dinv


def _tc2(acc1, hs1, degs, b1, W2):
    return pl.pallas_call(
        _tc2_body,
        grid=(GRID,),
        in_specs=[
            pl.BlockSpec((2, BR, D), lambda i: (0, i, 0)),
            pl.BlockSpec((BR, D), lambda i: (i, 0)),
            pl.BlockSpec((BR, 1), lambda i: (i, 0)),
            pl.BlockSpec((1, D), lambda i: (0, 0)),
            pl.BlockSpec((D, D), lambda i: (0, 0)),
        ],
        out_specs=pl.BlockSpec((BR, D), lambda i: (i, 0)),
        out_shape=jax.ShapeDtypeStruct((N, D), jnp.float32),
    )(acc1, hs1, degs, b1, W2)


def _tc3_body(acc_ref, hs_ref, degs_ref, b_ref, out_ref):
    dinv = _dinv_block(degs_ref)
    out_ref[...] = dinv * (acc_ref[0] + acc_ref[1] + hs_ref[...]) + b_ref[...]


def _tc3(acc2, hs2, degs, b2):
    return pl.pallas_call(
        _tc3_body,
        grid=(GRID,),
        in_specs=[
            pl.BlockSpec((2, BR, D), lambda i: (0, i, 0)),
            pl.BlockSpec((BR, D), lambda i: (i, 0)),
            pl.BlockSpec((BR, 1), lambda i: (i, 0)),
            pl.BlockSpec((1, D), lambda i: (0, 0)),
        ],
        out_specs=pl.BlockSpec((BR, D), lambda i: (i, 0)),
        out_shape=jax.ShapeDtypeStruct((N, D), jnp.float32),
    )(acc2, hs2, degs, b2)


def kernel(x, edge_index, W1, b1, W2, b2):
    src = edge_index[0].astype(jnp.int32)
    dst = edge_index[1].astype(jnp.int32)
    pad = EPAD - E
    ar = jnp.arange(pad, dtype=jnp.int32)
    src_all = jnp.concatenate([src, (ar * 997) % N])
    dst_all = jnp.concatenate([dst, N + (ar % 128)])

    src2d = src_all.reshape(EPAD // C, C)
    dst2d = dst_all.reshape(EPAD // C, C)
    dhi = jnp.right_shift(dst2d, 7)
    dlo = jnp.bitwise_and(dst2d, 127)
    deg2d = _deg_pass(dhi, dlo)
    degs = deg2d.reshape(NACC, 1)
    hs1 = _tc1(x, W1, degs)
    acc1 = _edge_pass(hs1, src2d, dst2d)
    hs2 = _tc2(acc1, hs1, degs, b1.reshape(1, D), W2)
    acc2 = _edge_pass(hs2, src2d, dst2d)
    return _tc3(acc2, hs2, degs, b2.reshape(1, D))

# --- scband reference (transcript-rebuilt; emitter-appended) ---
"""Pipeline reference for scband-gcn-27212912787870 (READ-ONLY COPY).

The authoritative reference and input builder live on the scoring server;
editing this copy changes nothing except your own understanding.
"""

import jax, jax.numpy as jnp
import numpy as np

N_NODES = 10000


def gcn_conv(x, edge_index, W, b):
    n = x.shape[0]
    src = edge_index[0]
    dst = edge_index[1]
    # add self-loops (PyG GCNConv default)
    loop = jnp.arange(n, dtype=src.dtype)
    src = jnp.concatenate([src, loop])
    dst = jnp.concatenate([dst, loop])
    # symmetric normalization D^{-1/2} (A+I) D^{-1/2}
    deg = jnp.zeros((n,), dtype=x.dtype).at[dst].add(1.0)
    dinv = jnp.where(deg > 0, jax.lax.rsqrt(deg), 0.0)
    norm = dinv[src] * dinv[dst]
    h = x @ W
    msg = h[src] * norm[:, None]
    out = jnp.zeros((n, W.shape[1]), dtype=x.dtype).at[dst].add(msg)
    return out + b


def setup_inputs(seed: int = 0) -> dict:
    key = jax.random.key(seed)
    k1, k2, k3, k4, k5, k6 = jax.random.split(key, 6)
    x = jax.random.normal(k1, (N_NODES, 128), dtype=jnp.float32)
    edge_index = jax.random.randint(k2, (2, 320000), 0, N_NODES, dtype=jnp.int64)
    W1 = jax.random.normal(k3, (128, 128), dtype=jnp.float32) * (1.0 / np.sqrt(128))
    b1 = jnp.zeros((128,), dtype=jnp.float32)
    W2 = jax.random.normal(k4, (128, 128), dtype=jnp.float32) * (1.0 / np.sqrt(128))
    b2 = jnp.zeros((128,), dtype=jnp.float32)
    return {"x": x, "edge_index": edge_index, "W1": W1, "b1": b1, "W2": W2, "b2": b2}


def reference(x, edge_index, W1, b1, W2, b2):
    h = gcn_conv(x, edge_index, W1, b1)
    h = jax.nn.relu(h)
    out = gcn_conv(h, edge_index, W2, b2)
    return out

if __name__ == "__main__":
    import jax
    _d = setup_inputs()
    print(jax.jit(kernel)(*tuple(_d.values())))

</pallas_src>

<mosaic_0001>
#map = affine_map<(d0, d1) -> (0, 0)>
#map1 = affine_map<(d0, d1) -> (0, 0, 0)>
module attributes {stable_mosaic.version = 14 : i64} {
  func.func @_edge_body(%arg0: i32, %arg1: i32, %arg2: memref<10000x128xf32, #tpu.memory_space<hbm>>, %arg3: memref<2560x128xi32, #tpu.memory_space<hbm>>, %arg4: memref<2560x128xi32, #tpu.memory_space<hbm>>, %arg5: memref<2x10240x128xf32, #tpu.memory_space<hbm>>, %arg6: memref<10240x128xf32, #tpu.memory_space<vmem_shared>>, %arg7: memref<40x128xi32, #tpu.memory_space<vmem>>, %arg8: memref<40x128xi32, #tpu.memory_space<vmem>>, %arg9: memref<128x128xf32, #tpu.memory_space<vmem>>, %arg10: memref<128x128xf32, #tpu.memory_space<vmem>>, %arg11: memref<!tpu.dma_semaphore, #tpu.memory_space<semaphore_mem>>, %arg12: memref<!tpu.dma_semaphore, #tpu.memory_space<semaphore_mem>>, %arg13: memref<!tpu.dma_semaphore, #tpu.memory_space<semaphore_mem>>, %arg14: memref<!tpu.dma_semaphore, #tpu.memory_space<semaphore_mem>>, %arg15: memref<!tpu.dma_semaphore, #tpu.memory_space<semaphore_mem>>) attributes {dimension_semantics = [#tpu.dimension_semantics<core_parallel>, #tpu.dimension_semantics<subcore_parallel>], iteration_bounds = array<i64: 2, 16>, scalar_prefetch = 0 : i64, scratch_operands = 10 : i64, tpu.core_type = #tpu.core_type<sc_vector_subcore>, window_params = [{transform_indices = #map}, {transform_indices = #map}, {transform_indices = #map}, {transform_indices = #map1}]} {
    %mul3A = arith.constant 2 : i32
    %mul3A_0 = arith.muli %arg1, %mul3A : i32
    %add3A = arith.addi %mul3A_0, %arg0 : i32
    %scan3A = arith.constant 0 : i32
    %scan3A_1 = arith.constant 0 : i32
    %scan3A_2 = arith.constant 1024 : i32
    %scan3A_3 = arith.addi %scan3A_1, %scan3A_2 : i32
    %scan3A_4 = arith.constant 1 : i32
    %scan3A_5 = scf.for %scan3A_183 = %scan3A_1 to %scan3A_3 step %scan3A_4 iter_args(%scan3A_184 = %scan3A) -> (i32)  : i32 {
      %broadcast_in_dim3A = arith.constant 0.000000e+00 : f32
      %broadcast_in_dim3A_185 = vector.broadcast %broadcast_in_dim3A : f32 to vector<16xf32>
      %jit3A = arith.constant 8 : i32
      %div3A = arith.divsi %scan3A_183, %jit3A : i32
      %sign3A = arith.constant 0 : i32
      %sign3A_186 = arith.cmpi sgt, %scan3A_183, %sign3A : i32
      %sign3A_187 = arith.extui %sign3A_186 : i1 to i32
      %sign3A_188 = arith.constant 0 : i32
      %sign3A_189 = arith.cmpi slt, %scan3A_183, %sign3A_188 : i32
      %sign3A_190 = arith.extui %sign3A_189 : i1 to i32
      %sign3A_191 = arith.subi %sign3A_187, %sign3A_190 : i32
      %sign3A_192 = arith.constant 0 : i32
      %sign3A_193 = arith.cmpi sgt, %jit3A, %sign3A_192 : i32
      %sign3A_194 = arith.extui %sign3A_193 : i1 to i32
      %sign3A_195 = arith.constant 0 : i32
      %sign3A_196 = arith.cmpi slt, %jit3A, %sign3A_195 : i32
      %sign3A_197 = arith.extui %sign3A_196 : i1 to i32
      %sign3A_198 = arith.subi %sign3A_194, %sign3A_197 : i32
      %ne3A = arith.cmpi ne, %sign3A_191, %sign3A_198 : i32
      %rem3A = arith.remsi %scan3A_183, %jit3A : i32
      %ne3A_199 = arith.constant 0 : i32
      %ne3A_200 = arith.cmpi ne, %rem3A, %ne3A_199 : i32
      %and3A = arith.andi %ne3A, %ne3A_200 : i1
      %sub3A = arith.constant 1 : i32
      %sub3A_201 = arith.subi %div3A, %sub3A : i32
      %select_n3A = arith.select %and3A, %sub3A_201, %div3A : i32
      %jit3A_202 = arith.constant 8 : i32
      %eq3A = arith.constant 0 : i32
      %eq3A_203 = arith.cmpi eq, %jit3A_202, %eq3A : i32
      %jit3A_204 = arith.constant 1 : i32
      %select_n3A_205 = arith.select %eq3A_203, %jit3A_204, %jit3A_202 : i32
      %rem3A_206 = arith.remsi %scan3A_183, %select_n3A_205 : i32
      %ne3A_207 = arith.constant 0 : i32
      %ne3A_208 = arith.cmpi ne, %rem3A_206, %ne3A_207 : i32
      %lt3A = arith.constant 0 : i32
      %lt3A_209 = arith.cmpi slt, %rem3A_206, %lt3A : i32
      %lt3A_210 = arith.constant 0 : i32
      %lt3A_211 = arith.cmpi slt, %select_n3A_205, %lt3A_210 : i32
      %ne3A_212 = arith.xori %lt3A_209, %lt3A_211 : i1
      %and3A_213 = arith.andi %ne3A_212, %ne3A_208 : i1
      %add3A_214 = arith.addi %rem3A_206, %select_n3A_205 : i32
      %select_n3A_215 = arith.select %and3A_213, %add3A_214, %rem3A_206 : i32
      %mul3A_216 = arith.constant 16 : i32
      %mul3A_217 = arith.muli %select_n3A_215, %mul3A_216 : i32
      %swap3A = arith.index_cast %select_n3A : i32 to index
      %swap3A_218 = arith.index_cast %mul3A_217 : i32 to index
      %swap3A_219 = tpu.vector_load %arg9[%swap3A, %swap3A_218] {strides = array<i32>} : memref<128x128xf32, #tpu.memory_space<vmem>>, vector<1x16xf32>,
      %swap3A_220 = vector.shape_cast %swap3A_219 : vector<1x16xf32> to vector<16xf32>
      %swap3A_221 = vector.shape_cast %broadcast_in_dim3A_185 : vector<16xf32> to vector<1x16xf32>
      tpu.vector_store %arg9[%swap3A, %swap3A_218], %swap3A_221 {strides = array<i32>} : memref<128x128xf32, #tpu.memory_space<vmem>>, vector<1x16xf32>,
      %scan3A_222 = arith.constant 0 : i32
      scf.yield %scan3A_222 : i32
    }
    %scan3A_6 = arith.constant 1024 : i32
    %scan3A_7 = arith.constant 0 : i32
    %scan3A_8 = arith.constant 0 : i32
    %scan3A_9 = arith.constant 5 : i32
    %scan3A_10 = arith.addi %scan3A_8, %scan3A_9 : i32
    %scan3A_11 = arith.constant 1 : i32
    %scan3A_12 = scf.for %scan3A_183 = %scan3A_8 to %scan3A_10 step %scan3A_11 iter_args(%scan3A_184 = %scan3A_7) -> (i32)  : i32 {
      %mul3A_185 = arith.constant 5 : i32
      %mul3A_186 = arith.muli %arg1, %mul3A_185 : i32
      %add3A_187 = arith.addi %mul3A_186, %scan3A_183 : i32
      %mul3A_188 = arith.constant 128 : i32
      %mul3A_189 = arith.muli %add3A_187, %mul3A_188 : i32
      "tpu.region"() ({
        %run_scoped3A = tpu.sem_alloc : memref<!tpu.dma_semaphore, #tpu.memory_space<semaphore_mem>>
        %dma_start3A_191 = arith.constant 0 : i32
        %dma_start3A_192 = tpu.memref_slice %arg6[%mul3A_189, %dma_start3A_191] : memref<10240x128xf32, #tpu.memory_space<vmem_shared>> -> memref<128x128xf32, #tpu.memory_space<vmem_shared>>
        %dma_start3A_193 = arith.constant 0 : i32
        %dma_start3A_194 = tpu.memref_slice %arg6[%mul3A_189, %dma_start3A_193] : memref<10240x128xf32, #tpu.memory_space<vmem_shared>> -> memref<128x128xf32, #tpu.memory_space<vmem_shared>>
        tpu.enqueue_dma source(%arg9 : memref<128x128xf32, #tpu.memory_space<vmem>>) target(%dma_start3A_194 : memref<128x128xf32, #tpu.memory_space<vmem_shared>>) target_semaphore(%run_scoped3A : memref<!tpu.dma_semaphore, #tpu.memory_space<semaphore_mem>>)
        %dma_wait3A_195 = arith.constant 0 : i32
        %dma_wait3A_196 = tpu.memref_slice %arg6[%mul3A_189, %dma_wait3A_195] : memref<10240x128xf32, #tpu.memory_space<vmem_shared>> -> memref<128x128xf32, #tpu.memory_space<vmem_shared>>
        %dma_wait3A_197 = arith.constant 0 : i32
        %dma_wait3A_198 = tpu.memref_slice %arg6[%mul3A_189, %dma_wait3A_197] : memref<10240x128xf32, #tpu.memory_space<vmem_shared>> -> memref<128x128xf32, #tpu.memory_space<vmem_shared>>
        tpu.wait_dma2 semaphore(%run_scoped3A : memref<!tpu.dma_semaphore, #tpu.memory_space<semaphore_mem>>) src(%arg9 : memref<128x128xf32, #tpu.memory_space<vmem>>) dst(%dma_wait3A_198 : memref<128x128xf32, #tpu.memory_space<vmem_shared>>)
        tpu.yield
      }) : () -> ()
      %scan3A_190 = arith.constant 0 : i32
      scf.yield %scan3A_190 : i32
    }
    %scan3A_13 = arith.constant 5 : i32
    %barrier3A = arith.constant 0 : index
    tpu.barrier barrier_id(%barrier3A)
    %mul3A_14 = arith.constant 80 : i32
    %mul3A_15 = arith.muli %add3A, %mul3A_14 : i32
    %add3A_16 = arith.constant 0 : i32
    %add3A_17 = arith.addi %mul3A_15, %add3A_16 : i32
    %dma_start3A = arith.constant 0 : i32
    %dma_start3A_18 = tpu.memref_slice %arg3[%add3A_17, %dma_start3A] : memref<2560x128xi32, #tpu.memory_space<hbm>> -> memref<40x128xi32, #tpu.memory_space<hbm>>
    %dma_start3A_19 = arith.constant 0 : i32
    %dma_start3A_20 = tpu.memref_slice %arg3[%add3A_17, %dma_start3A_19] : memref<2560x128xi32, #tpu.memory_space<hbm>> -> memref<40x128xi32, #tpu.memory_space<hbm>>
    tpu.enqueue_dma source(%dma_start3A_20 : memref<40x128xi32, #tpu.memory_space<hbm>>) target(%arg7 : memref<40x128xi32, #tpu.memory_space<vmem>>) target_semaphore(%arg15 : memref<!tpu.dma_semaphore, #tpu.memory_space<semaphore_mem>>)
    %dma_wait3A = arith.constant 0 : i32
    %dma_wait3A_21 = tpu.memref_slice %arg3[%add3A_17, %dma_wait3A] : memref<2560x128xi32, #tpu.memory_space<hbm>> -> memref<40x128xi32, #tpu.memory_space<hbm>>
    %dma_wait3A_22 = arith.constant 0 : i32
    %dma_wait3A_23 = tpu.memref_slice %arg3[%add3A_17, %dma_wait3A_22] : memref<2560x128xi32, #tpu.memory_space<hbm>> -> memref<40x128xi32, #tpu.memory_space<hbm>>
    tpu.wait_dma2 semaphore(%arg15 : memref<!tpu.dma_semaphore, #tpu.memory_space<semaphore_mem>>) src(%dma_wait3A_23 : memref<40x128xi32, #tpu.memory_space<hbm>>) dst(%arg7 : memref<40x128xi32, #tpu.memory_space<vmem>>)
    %dma_start3A_24 = arith.constant 0 : i32
    %dma_start3A_25 = tpu.memref_slice %arg4[%add3A_17, %dma_start3A_24] : memref<2560x128xi32, #tpu.memory_space<hbm>> -> memref<40x128xi32, #tpu.memory_space<hbm>>
    %dma_start3A_26 = arith.constant 0 : i32
    %dma_start3A_27 = tpu.memref_slice %arg4[%add3A_17, %dma_start3A_26] : memref<2560x128xi32, #tpu.memory_space<hbm>> -> memref<40x128xi32, #tpu.memory_space<hbm>>
    tpu.enqueue_dma source(%dma_start3A_27 : memref<40x128xi32, #tpu.memory_space<hbm>>) target(%arg8 : memref<40x128xi32, #tpu.memory_space<vmem>>) target_semaphore(%arg15 : memref<!tpu.dma_semaphore, #tpu.memory_space<semaphore_mem>>)
    %dma_wait3A_28 = arith.constant 0 : i32
    %dma_wait3A_29 = tpu.memref_slice %arg4[%add3A_17, %dma_wait3A_28] : memref<2560x128xi32, #tpu.memory_space<hbm>> -> memref<40x128xi32, #tpu.memory_space<hbm>>
    %dma_wait3A_30 = arith.constant 0 : i32
    %dma_wait3A_31 = tpu.memref_slice %arg4[%add3A_17, %dma_wait3A_30] : memref<2560x128xi32, #tpu.memory_space<hbm>> -> memref<40x128xi32, #tpu.memory_space<hbm>>
    tpu.wait_dma2 semaphore(%arg15 : memref<!tpu.dma_semaphore, #tpu.memory_space<semaphore_mem>>) src(%dma_wait3A_31 : memref<40x128xi32, #tpu.memory_space<hbm>>) dst(%arg8 : memref<40x128xi32, #tpu.memory_space<vmem>>)
    %dma_start3A_32 = arith.constant 0 : i32
    %dma_start3A_33 = arith.constant 0 : i32
    %dma_start3A_34 = tpu.memref_slice %arg7[%dma_start3A_32, %dma_start3A_33] : memref<40x128xi32, #tpu.memory_space<vmem>> -> memref<1x128xi32, #tpu.memory_space<vmem>>
    %dma_start3A_35 = tpu.memref_squeeze %dma_start3A_34 : memref<1x128xi32, #tpu.memory_space<vmem>> -> memref<128xi32, #tpu.memory_space<vmem>>
    %dma_start3A_36 = arith.constant 0 : i32
    %dma_start3A_37 = arith.constant 0 : i32
    %dma_start3A_38 = tpu.memref_slice %arg2[%dma_start3A_36, %dma_start3A_37] : memref<10000x128xf32, #tpu.memory_space<hbm>> -> memref<10000x128xf32, #tpu.memory_space<hbm>>
    tpu.enqueue_indirect_dma source(%dma_start3A_38 : memref<10000x128xf32, #tpu.memory_space<hbm>>) target(%arg9 : memref<128x128xf32, #tpu.memory_space<vmem>>) offsets(%dma_start3A_35 : memref<128xi32, #tpu.memory_space<vmem>>) semaphore(%arg11 : memref<!tpu.dma_semaphore, #tpu.memory_space<semaphore_mem>>)
    %dma_start3A_39 = arith.constant 1 : i32
    %dma_start3A_40 = arith.constant 0 : i32
    %dma_start3A_41 = tpu.memref_slice %arg7[%dma_start3A_39, %dma_start3A_40] : memref<40x128xi32, #tpu.memory_space<vmem>> -> memref<1x128xi32, #tpu.memory_space<vmem>>
    %dma_start3A_42 = tpu.memref_squeeze %dma_start3A_41 : memref<1x128xi32, #tpu.memory_space<vmem>> -> memref<128xi32, #tpu.memory_space<vmem>>
    %dma_start3A_43 = arith.constant 0 : i32
    %dma_start3A_44 = arith.constant 0 : i32
    %dma_start3A_45 = tpu.memref_slice %arg2[%dma_start3A_43, %dma_start3A_44] : memref<10000x128xf32, #tpu.memory_space<hbm>> -> memref<10000x128xf32, #tpu.memory_space<hbm>>
    tpu.enqueue_indirect_dma source(%dma_start3A_45 : memref<10000x128xf32, #tpu.memory_space<hbm>>) target(%arg10 : memref<128x128xf32, #tpu.memory_space<vmem>>) offsets(%dma_start3A_42 : memref<128xi32, #tpu.memory_space<vmem>>) semaphore(%arg12 : memref<!tpu.dma_semaphore, #tpu.memory_space<semaphore_mem>>)
    %scan3A_46 = arith.constant 0 : i32
    %scan3A_47 = arith.constant 0 : i32
    %scan3A_48 = arith.constant 19 : i32
    %scan3A_49 = arith.addi %scan3A_47, %scan3A_48 : i32
    %scan3A_50 = arith.constant 1 : i32
    %scan3A_51 = scf.for %scan3A_183 = %scan3A_47 to %scan3A_49 step %scan3A_50 iter_args(%scan3A_184 = %scan3A_46) -> (i32)  : i32 {
      %mul3A_185 = arith.constant 2 : i32
      %mul3A_186 = arith.muli %scan3A_183, %mul3A_185 : i32
      %add3A_187 = arith.constant 0 : i32
      %add3A_188 = arith.addi %mul3A_186, %add3A_187 : i32
      %dma_wait3A_189 = arith.constant 0 : i32
      %dma_wait3A_190 = tpu.memref_slice %arg7[%add3A_188, %dma_wait3A_189] : memref<40x128xi32, #tpu.memory_space<vmem>> -> memref<1x128xi32, #tpu.memory_space<vmem>>
      %dma_wait3A_191 = tpu.memref_squeeze %dma_wait3A_190 : memref<1x128xi32, #tpu.memory_space<vmem>> -> memref<128xi32, #tpu.memory_space<vmem>>
      %dma_wait3A_192 = arith.constant 0 : i32
      %dma_wait3A_193 = arith.constant 0 : i32
      %dma_wait3A_194 = tpu.memref_slice %arg2[%dma_wait3A_192, %dma_wait3A_193] : memref<10000x128xf32, #tpu.memory_space<hbm>> -> memref<10000x128xf32, #tpu.memory_space<hbm>>
      tpu.wait_indirect_dma semaphore(%arg11 : memref<!tpu.dma_semaphore, #tpu.memory_space<semaphore_mem>>) src(%dma_wait3A_194 : memref<10000x128xf32, #tpu.memory_space<hbm>>) dst(%arg9 : memref<128x128xf32, #tpu.memory_space<vmem>>)
      %dma_start3A_195 = arith.constant 0 : i32
      %dma_start3A_196 = tpu.memref_slice %arg8[%add3A_188, %dma_start3A_195] : memref<40x128xi32, #tpu.memory_space<vmem>> -> memref<1x128xi32, #tpu.memory_space<vmem>>
      %dma_start3A_197 = tpu.memref_squeeze %dma_start3A_196 : memref<1x128xi32, #tpu.memory_space<vmem>> -> memref<128xi32, #tpu.memory_space<vmem>>
      %dma_start3A_198 = arith.constant 0 : i32
      %dma_start3A_199 = arith.constant 0 : i32
      %dma_start3A_200 = tpu.memref_slice %arg6[%dma_start3A_198, %dma_start3A_199] : memref<10240x128xf32, #tpu.memory_space<vmem_shared>> -> memref<10240x128xf32, #tpu.memory_space<vmem_shared>>
      tpu.enqueue_indirect_dma source(%arg9 : memref<128x128xf32, #tpu.memory_space<vmem>>) target(%dma_start3A_200 : memref<10240x128xf32, #tpu.memory_space<vmem_shared>>) offsets(%dma_start3A_197 : memref<128xi32, #tpu.memory_space<vmem>>) semaphore(%arg13 : memref<!tpu.dma_semaphore, #tpu.memory_space<semaphore_mem>>) {add = true}
      %dma_wait3A_201 = arith.constant 0 : i32
      %dma_wait3A_202 = tpu.memref_slice %arg8[%add3A_188, %dma_wait3A_201] : memref<40x128xi32, #tpu.memory_space<vmem>> -> memref<1x128xi32, #tpu.memory_space<vmem>>
      %dma_wait3A_203 = tpu.memref_squeeze %dma_wait3A_202 : memref<1x128xi32, #tpu.memory_space<vmem>> -> memref<128xi32, #tpu.memory_space<vmem>>
      %dma_wait3A_204 = arith.constant 0 : i32
      %dma_wait3A_205 = arith.constant 0 : i32
      %dma_wait3A_206 = tpu.memref_slice %arg6[%dma_wait3A_204, %dma_wait3A_205] : memref<10240x128xf32, #tpu.memory_space<vmem_shared>> -> memref<10240x128xf32, #tpu.memory_space<vmem_shared>>
      tpu.wait_indirect_dma semaphore(%arg13 : memref<!tpu.dma_semaphore, #tpu.memory_space<semaphore_mem>>) src(%arg9 : memref<128x128xf32, #tpu.memory_space<vmem>>) dst(%dma_wait3A_206 : memref<10240x128xf32, #tpu.memory_space<vmem_shared>>)
      %add3A_207 = arith.constant 2 : i32
      %add3A_208 = arith.addi %add3A_188, %add3A_207 : i32
      %dma_start3A_209 = arith.constant 0 : i32
      %dma_start3A_210 = tpu.memref_slice %arg7[%add3A_208, %dma_start3A_209] : memref<40x128xi32, #tpu.memory_space<vmem>> -> memref<1x128xi32, #tpu.memory_space<vmem>>
      %dma_start3A_211 = tpu.memref_squeeze %dma_start3A_210 : memref<1x128xi32, #tpu.memory_space<vmem>> -> memref<128xi32, #tpu.memory_space<vmem>>
      %dma_start3A_212 = arith.constant 0 : i32
      %dma_start3A_213 = arith.constant 0 : i32
      %dma_start3A_214 = tpu.memref_slice %arg2[%dma_start3A_212, %dma_start3A_213] : memref<10000x128xf32, #tpu.memory_space<hbm>> -> memref<10000x128xf32, #tpu.memory_space<hbm>>
      tpu.enqueue_indirect_dma source(%dma_start3A_214 : memref<10000x128xf32, #tpu.memory_space<hbm>>) target(%arg9 : memref<128x128xf32, #tpu.memory_space<vmem>>) offsets(%dma_start3A_211 : memref<128xi32, #tpu.memory_space<vmem>>) semaphore(%arg11 : memref<!tpu.dma_semaphore, #tpu.memory_space<semaphore_mem>>)
      %add3A_215 = arith.constant 1 : i32
      %add3A_216 = arith.addi %mul3A_186, %add3A_215 : i32
      %dma_wait3A_217 = arith.constant 0 : i32
      %dma_wait3A_218 = tpu.memref_slice %arg7[%add3A_216, %dma_wait3A_217] : memref<40x128xi32, #tpu.memory_space<vmem>> -> memref<1x128xi32, #tpu.memory_space<vmem>>
      %dma_wait3A_219 = tpu.memref_squeeze %dma_wait3A_218 : memref<1x128xi32, #tpu.memory_space<vmem>> -> memref<128xi32, #tpu.memory_space<vmem>>
      %dma_wait3A_220 = arith.constant 0 : i32
      %dma_wait3A_221 = arith.constant 0 : i32
      %dma_wait3A_222 = tpu.memref_slice %arg2[%dma_wait3A_220, %dma_wait3A_221] : memref<10000x128xf32, #tpu.memory_space<hbm>> -> memref<10000x128xf32, #tpu.memory_space<hbm>>
      tpu.wait_indirect_dma semaphore(%arg12 : memref<!tpu.dma_semaphore, #tpu.memory_space<semaphore_mem>>) src(%dma_wait3A_222 : memref<10000x128xf32, #tpu.memory_space<hbm>>) dst(%arg10 : memref<128x128xf32, #tpu.memory_space<vmem>>)
      %dma_start3A_223 = arith.constant 0 : i32
      %dma_start3A_224 = tpu.memref_slice %arg8[%add3A_216, %dma_start3A_223] : memref<40x128xi32, #tpu.memory_space<vmem>> -> memref<1x128xi32, #tpu.memory_space<vmem>>
      %dma_start3A_225 = tpu.memref_squeeze %dma_start3A_224 : memref<1x128xi32, #tpu.memory_space<vmem>> -> memref<128xi32, #tpu.memory_space<vmem>>
      %dma_start3A_226 = arith.constant 0 : i32
      %dma_start3A_227 = arith.constant 0 : i32
      %dma_start3A_228 = tpu.memref_slice %arg6[%dma_start3A_226, %dma_start3A_227] : memref<10240x128xf32, #tpu.memory_space<vmem_shared>> -> memref<10240x128xf32, #tpu.memory_space<vmem_shared>>
      tpu.enqueue_indirect_dma source(%arg10 : memref<128x128xf32, #tpu.memory_space<vmem>>) target(%dma_start3A_228 : memref<10240x128xf32, #tpu.memory_space<vmem_shared>>) offsets(%dma_start3A_225 : memref<128xi32, #tpu.memory_space<vmem>>) semaphore(%arg14 : memref<!tpu.dma_semaphore, #tpu.memory_space<semaphore_mem>>) {add = true}
      %dma_wait3A_229 = arith.constant 0 : i32
      %dma_wait3A_230 = tpu.memref_slice %arg8[%add3A_216, %dma_wait3A_229] : memref<40x128xi32, #tpu.memory_space<vmem>> -> memref<1x128xi32, #tpu.memory_space<vmem>>
      %dma_wait3A_231 = tpu.memref_squeeze %dma_wait3A_230 : memref<1x128xi32, #tpu.memory_space<vmem>> -> memref<128xi32, #tpu.memory_space<vmem>>
      %dma_wait3A_232 = arith.constant 0 : i32
      %dma_wait3A_233 = arith.constant 0 : i32
      %dma_wait3A_234 = tpu.memref_slice %arg6[%dma_wait3A_232, %dma_wait3A_233] : memref<10240x128xf32, #tpu.memory_space<vmem_shared>> -> memref<10240x128xf32, #tpu.memory_space<vmem_shared>>
      tpu.wait_indirect_dma semaphore(%arg14 : memref<!tpu.dma_semaphore, #tpu.memory_space<semaphore_mem>>) src(%arg10 : memref<128x128xf32, #tpu.memory_space<vmem>>) dst(%dma_wait3A_234 : memref<10240x128xf32, #tpu.memory_space<vmem_shared>>)
      %add3A_235 = arith.constant 2 : i32
      %add3A_236 = arith.addi %add3A_216, %add3A_235 : i32
      %dma_start3A_237 = arith.constant 0 : i32
      %dma_start3A_238 = tpu.memref_slice %arg7[%add3A_236, %dma_start3A_237] : memref<40x128xi32, #tpu.memory_space<vmem>> -> memref<1x128xi32, #tpu.memory_space<vmem>>
      %dma_start3A_239 = tpu.memref_squeeze %dma_start3A_238 : memref<1x128xi32, #tpu.memory_space<vmem>> -> memref<128xi32, #tpu.memory_space<vmem>>
      %dma_start3A_240 = arith.constant 0 : i32
      %dma_start3A_241 = arith.constant 0 : i32
      %dma_start3A_242 = tpu.memref_slice %arg2[%dma_start3A_240, %dma_start3A_241] : memref<10000x128xf32, #tpu.memory_space<hbm>> -> memref<10000x128xf32, #tpu.memory_space<hbm>>
      tpu.enqueue_indirect_dma source(%dma_start3A_242 : memref<10000x128xf32, #tpu.memory_space<hbm>>) target(%arg10 : memref<128x128xf32, #tpu.memory_space<vmem>>) offsets(%dma_start3A_239 : memref<128xi32, #tpu.memory_space<vmem>>) semaphore(%arg12 : memref<!tpu.dma_semaphore, #tpu.memory_space<semaphore_mem>>)
      %scan3A_243 = arith.constant 0 : i32
      scf.yield %scan3A_243 : i32
    }
    %scan3A_52 = arith.constant 19 : i32
    %dma_wait3A_53 = arith.constant 38 : i32
    %dma_wait3A_54 = arith.constant 0 : i32
    %dma_wait3A_55 = tpu.memref_slice %arg7[%dma_wait3A_53, %dma_wait3A_54] : memref<40x128xi32, #tpu.memory_space<vmem>> -> memref<1x128xi32, #tpu.memory_space<vmem>>
    %dma_wait3A_56 = tpu.memref_squeeze %dma_wait3A_55 : memref<1x128xi32, #tpu.memory_space<vmem>> -> memref<128xi32, #tpu.memory_space<vmem>>
    %dma_wait3A_57 = arith.constant 0 : i32
    %dma_wait3A_58 = arith.constant 0 : i32
    %dma_wait3A_59 = tpu.memref_slice %arg2[%dma_wait3A_57, %dma_wait3A_58] : memref<10000x128xf32, #tpu.memory_space<hbm>> -> memref<10000x128xf32, #tpu.memory_space<hbm>>
    tpu.wait_indirect_dma semaphore(%arg11 : memref<!tpu.dma_semaphore, #tpu.memory_space<semaphore_mem>>) src(%dma_wait3A_59 : memref<10000x128xf32, #tpu.memory_space<hbm>>) dst(%arg9 : memref<128x128xf32, #tpu.memory_space<vmem>>)
    %dma_start3A_60 = arith.constant 38 : i32
    %dma_start3A_61 = arith.constant 0 : i32
    %dma_start3A_62 = tpu.memref_slice %arg8[%dma_start3A_60, %dma_start3A_61] : memref<40x128xi32, #tpu.memory_space<vmem>> -> memref<1x128xi32, #tpu.memory_space<vmem>>
    %dma_start3A_63 = tpu.memref_squeeze %dma_start3A_62 : memref<1x128xi32, #tpu.memory_space<vmem>> -> memref<128xi32, #tpu.memory_space<vmem>>
    %dma_start3A_64 = arith.constant 0 : i32
    %dma_start3A_65 = arith.constant 0 : i32
    %dma_start3A_66 = tpu.memref_slice %arg6[%dma_start3A_64, %dma_start3A_65] : memref<10240x128xf32, #tpu.memory_space<vmem_shared>> -> memref<10240x128xf32, #tpu.memory_space<vmem_shared>>
    tpu.enqueue_indirect_dma source(%arg9 : memref<128x128xf32, #tpu.memory_space<vmem>>) target(%dma_start3A_66 : memref<10240x128xf32, #tpu.memory_space<vmem_shared>>) offsets(%dma_start3A_63 : memref<128xi32, #tpu.memory_space<vmem>>) semaphore(%arg13 : memref<!tpu.dma_semaphore, #tpu.memory_space<semaphore_mem>>) {add = true}
    %dma_wait3A_67 = arith.constant 38 : i32
    %dma_wait3A_68 = arith.constant 0 : i32
    %dma_wait3A_69 = tpu.memref_slice %arg8[%dma_wait3A_67, %dma_wait3A_68] : memref<40x128xi32, #tpu.memory_space<vmem>> -> memref<1x128xi32, #tpu.memory_space<vmem>>
    %dma_wait3A_70 = tpu.memref_squeeze %dma_wait3A_69 : memref<1x128xi32, #tpu.memory_space<vmem>> -> memref<128xi32, #tpu.memory_space<vmem>>
    %dma_wait3A_71 = arith.constant 0 : i32
    %dma_wait3A_72 = arith.constant 0 : i32
    %dma_wait3A_73 = tpu.memref_slice %arg6[%dma_wait3A_71, %dma_wait3A_72] : memref<10240x128xf32, #tpu.memory_space<vmem_shared>> -> memref<10240x128xf32, #tpu.memory_space<vmem_shared>>
    tpu.wait_indirect_dma semaphore(%arg13 : memref<!tpu.dma_semaphore, #tpu.memory_space<semaphore_mem>>) src(%arg9 : memref<128x128xf32, #tpu.memory_space<vmem>>) dst(%dma_wait3A_73 : memref<10240x128xf32, #tpu.memory_space<vmem_shared>>)
    %dma_wait3A_74 = arith.constant 39 : i32
    %dma_wait3A_75 = arith.constant 0 : i32
    %dma_wait3A_76 = tpu.memref_slice %arg7[%dma_wait3A_74, %dma_wait3A_75] : memref<40x128xi32, #tpu.memory_space<vmem>> -> memref<1x128xi32, #tpu.memory_space<vmem>>
    %dma_wait3A_77 = tpu.memref_squeeze %dma_wait3A_76 : memref<1x128xi32, #tpu.memory_space<vmem>> -> memref<128xi32, #tpu.memory_space<vmem>>
    %dma_wait3A_78 = arith.constant 0 : i32
    %dma_wait3A_79 = arith.constant 0 : i32
    %dma_wait3A_80 = tpu.memref_slice %arg2[%dma_wait3A_78, %dma_wait3A_79] : memref<10000x128xf32, #tpu.memory_space<hbm>> -> memref<10000x128xf32, #tpu.memory_space<hbm>>
    tpu.wait_indirect_dma semaphore(%arg12 : memref<!tpu.dma_semaphore, #tpu.memory_space<semaphore_mem>>) src(%dma_wait3A_80 : memref<10000x128xf32, #tpu.memory_space<hbm>>) dst(%arg10 : memref<128x128xf32, #tpu.memory_space<vmem>>)
    %dma_start3A_81 = arith.constant 39 : i32
    %dma_start3A_82 = arith.constant 0 : i32
    %dma_start3A_83 = tpu.memref_slice %arg8[%dma_start3A_81, %dma_start3A_82] : memref<40x128xi32, #tpu.memory_space<vmem>> -> memref<1x128xi32, #tpu.memory_space<vmem>>
    %dma_start3A_84 = tpu.memref_squeeze %dma_start3A_83 : memref<1x128xi32, #tpu.memory_space<vmem>> -> memref<128xi32, #tpu.memory_space<vmem>>
    %dma_start3A_85 = arith.constant 0 : i32
    %dma_start3A_86 = arith.constant 0 : i32
    %dma_start3A_87 = tpu.memref_slice %arg6[%dma_start3A_85, %dma_start3A_86] : memref<10240x128xf32, #tpu.memory_space<vmem_shared>> -> memref<10240x128xf32, #tpu.memory_space<vmem_shared>>
    tpu.enqueue_indirect_dma source(%arg10 : memref<128x128xf32, #tpu.memory_space<vmem>>) target(%dma_start3A_87 : memref<10240x128xf32, #tpu.memory_space<vmem_shared>>) offsets(%dma_start3A_84 : memref<128xi32, #tpu.memory_space<vmem>>) semaphore(%arg14 : memref<!tpu.dma_semaphore, #tpu.memory_space<semaphore_mem>>) {add = true}
    %dma_wait3A_88 = arith.constant 39 : i32
    %dma_wait3A_89 = arith.constant 0 : i32
    %dma_wait3A_90 = tpu.memref_slice %arg8[%dma_wait3A_88, %dma_wait3A_89] : memref<40x128xi32, #tpu.memory_space<vmem>> -> memref<1x128xi32, #tpu.memory_space<vmem>>
    %dma_wait3A_91 = tpu.memref_squeeze %dma_wait3A_90 : memref<1x128xi32, #tpu.memory_space<vmem>> -> memref<128xi32, #tpu.memory_space<vmem>>
    %dma_wait3A_92 = arith.constant 0 : i32
    %dma_wait3A_93 = arith.constant 0 : i32
    %dma_wait3A_94 = tpu.memref_slice %arg6[%dma_wait3A_92, %dma_wait3A_93] : memref<10240x128xf32, #tpu.memory_space<vmem_shared>> -> memref<10240x128xf32, #tpu.memory_space<vmem_shared>>
    tpu.wait_indirect_dma semaphore(%arg14 : memref<!tpu.dma_semaphore, #tpu.memory_space<semaphore_mem>>) src(%arg10 : memref<128x128xf32, #tpu.memory_space<vmem>>) dst(%dma_wait3A_94 : memref<10240x128xf32, #tpu.memory_space<vmem_shared>>)
    %mul3A_95 = arith.constant 80 : i32
    %mul3A_96 = arith.muli %add3A, %mul3A_95 : i32
    %add3A_97 = arith.constant 40 : i32
    %add3A_98 = arith.addi %mul3A_96, %add3A_97 : i32
    %dma_start3A_99 = arith.constant 0 : i32
    %dma_start3A_100 = tpu.memref_slice %arg3[%add3A_98, %dma_start3A_99] : memref<2560x128xi32, #tpu.memory_space<hbm>> -> memref<40x128xi32, #tpu.memory_space<hbm>>
    %dma_start3A_101 = arith.constant 0 : i32
    %dma_start3A_102 = tpu.memref_slice %arg3[%add3A_98, %dma_start3A_101] : memref<2560x128xi32, #tpu.memory_space<hbm>> -> memref<40x128xi32, #tpu.memory_space<hbm>>
    tpu.enqueue_dma source(%dma_start3A_102 : memref<40x128xi32, #tpu.memory_space<hbm>>) target(%arg7 : memref<40x128xi32, #tpu.memory_space<vmem>>) target_semaphore(%arg15 : memref<!tpu.dma_semaphore, #tpu.memory_space<semaphore_mem>>)
    %dma_wait3A_103 = arith.constant 0 : i32
    %dma_wait3A_104 = tpu.memref_slice %arg3[%add3A_98, %dma_wait3A_103] : memref<2560x128xi32, #tpu.memory_space<hbm>> -> memref<40x128xi32, #tpu.memory_space<hbm>>
    %dma_wait3A_105 = arith.constant 0 : i32
    %dma_wait3A_106 = tpu.memref_slice %arg3[%add3A_98, %dma_wait3A_105] : memref<2560x128xi32, #tpu.memory_space<hbm>> -> memref<40x128xi32, #tpu.memory_space<hbm>>
    tpu.wait_dma2 semaphore(%arg15 : memref<!tpu.dma_semaphore, #tpu.memory_space<semaphore_mem>>) src(%dma_wait3A_106 : memref<40x128xi32, #tpu.memory_space<hbm>>) dst(%arg7 : memref<40x128xi32, #tpu.memory_space<vmem>>)
    %dma_start3A_107 = arith.constant 0 : i32
    %dma_start3A_108 = tpu.memref_slice %arg4[%add3A_98, %dma_start3A_107] : memref<2560x128xi32, #tpu.memory_space<hbm>> -> memref<40x128xi32, #tpu.memory_space<hbm>>
    %dma_start3A_109 = arith.constant 0 : i32
    %dma_start3A_110 = tpu.memref_slice %arg4[%add3A_98, %dma_start3A_109] : memref<2560x128xi32, #tpu.memory_space<hbm>> -> memref<40x128xi32, #tpu.memory_space<hbm>>
    tpu.enqueue_dma source(%dma_start3A_110 : memref<40x128xi32, #tpu.memory_space<hbm>>) target(%arg8 : memref<40x128xi32, #tpu.memory_space<vmem>>) target_semaphore(%arg15 : memref<!tpu.dma_semaphore, #tpu.memory_space<semaphore_mem>>)
    %dma_wait3A_111 = arith.constant 0 : i32
    %dma_wait3A_112 = tpu.memref_slice %arg4[%add3A_98, %dma_wait3A_111] : memref<2560x128xi32, #tpu.memory_space<hbm>> -> memref<40x128xi32, #tpu.memory_space<hbm>>
    %dma_wait3A_113 = arith.constant 0 : i32
    %dma_wait3A_114 = tpu.memref_slice %arg4[%add3A_98, %dma_wait3A_113] : memref<2560x128xi32, #tpu.memory_space<hbm>> -> memref<40x128xi32, #tpu.memory_space<hbm>>
    tpu.wait_dma2 semaphore(%arg15 : memref<!tpu.dma_semaphore, #tpu.memory_space<semaphore_mem>>) src(%dma_wait3A_114 : memref<40x128xi32, #tpu.memory_space<hbm>>) dst(%arg8 : memref<40x128xi32, #tpu.memory_space<vmem>>)
    %dma_start3A_115 = arith.constant 0 : i32
    %dma_start3A_116 = arith.constant 0 : i32
    %dma_start3A_117 = tpu.memref_slice %arg7[%dma_start3A_115, %dma_start3A_116] : memref<40x128xi32, #tpu.memory_space<vmem>> -> memref<1x128xi32, #tpu.memory_space<vmem>>
    %dma_start3A_118 = tpu.memref_squeeze %dma_start3A_117 : memref<1x128xi32, #tpu.memory_space<vmem>> -> memref<128xi32, #tpu.memory_space<vmem>>
    %dma_start3A_119 = arith.constant 0 : i32
    %dma_start3A_120 = arith.constant 0 : i32
    %dma_start3A_121 = tpu.memref_slice %arg2[%dma_start3A_119, %dma_start3A_120] : memref<10000x128xf32, #tpu.memory_space<hbm>> -> memref<10000x128xf32, #tpu.memory_space<hbm>>
    tpu.enqueue_indirect_dma source(%dma_start3A_121 : memref<10000x128xf32, #tpu.memory_space<hbm>>) target(%arg9 : memref<128x128xf32, #tpu.memory_space<vmem>>) offsets(%dma_start3A_118 : memref<128xi32, #tpu.memory_space<vmem>>) semaphore(%arg11 : memref<!tpu.dma_semaphore, #tpu.memory_space<semaphore_mem>>)
    %dma_start3A_122 = arith.constant 1 : i32
    %dma_start3A_123 = arith.constant 0 : i32
    %dma_start3A_124 = tpu.memref_slice %arg7[%dma_start3A_122, %dma_start3A_123] : memref<40x128xi32, #tpu.memory_space<vmem>> -> memref<1x128xi32, #tpu.memory_space<vmem>>
    %dma_start3A_125 = tpu.memref_squeeze %dma_start3A_124 : memref<1x128xi32, #tpu.memory_space<vmem>> -> memref<128xi32, #tpu.memory_space<vmem>>
    %dma_start3A_126 = arith.constant 0 : i32
    %dma_start3A_127 = arith.constant 0 : i32
    %dma_start3A_128 = tpu.memref_slice %arg2[%dma_start3A_126, %dma_start3A_127] : memref<10000x128xf32, #tpu.memory_space<hbm>> -> memref<10000x128xf32, #tpu.memory_space<hbm>>
    tpu.enqueue_indirect_dma source(%dma_start3A_128 : memref<10000x128xf32, #tpu.memory_space<hbm>>) target(%arg10 : memref<128x128xf32, #tpu.memory_space<vmem>>) offsets(%dma_start3A_125 : memref<128xi32, #tpu.memory_space<vmem>>) semaphore(%arg12 : memref<!tpu.dma_semaphore, #tpu.memory_space<semaphore_mem>>)
    %scan3A_129 = arith.constant 0 : i32
    %scan3A_130 = arith.constant 0 : i32
    %scan3A_131 = arith.constant 19 : i32
    %scan3A_132 = arith.addi %scan3A_130, %scan3A_131 : i32
    %scan3A_133 = arith.constant 1 : i32
    %scan3A_134 = scf.for %scan3A_183 = %scan3A_130 to %scan3A_132 step %scan3A_133 iter_args(%scan3A_184 = %scan3A_129) -> (i32)  : i32 {
      %mul3A_185 = arith.constant 2 : i32
      %mul3A_186 = arith.muli %scan3A_183, %mul3A_185 : i32
      %add3A_187 = arith.constant 0 : i32
      %add3A_188 = arith.addi %mul3A_186, %add3A_187 : i32
      %dma_wait3A_189 = arith.constant 0 : i32
      %dma_wait3A_190 = tpu.memref_slice %arg7[%add3A_188, %dma_wait3A_189] : memref<40x128xi32, #tpu.memory_space<vmem>> -> memref<1x128xi32, #tpu.memory_space<vmem>>
      %dma_wait3A_191 = tpu.memref_squeeze %dma_wait3A_190 : memref<1x128xi32, #tpu.memory_space<vmem>> -> memref<128xi32, #tpu.memory_space<vmem>>
      %dma_wait3A_192 = arith.constant 0 : i32
      %dma_wait3A_193 = arith.constant 0 : i32
      %dma_wait3A_194 = tpu.memref_slice %arg2[%dma_wait3A_192, %dma_wait3A_193] : memref<10000x128xf32, #tpu.memory_space<hbm>> -> memref<10000x128xf32, #tpu.memory_space<hbm>>
      tpu.wait_indirect_dma semaphore(%arg11 : memref<!tpu.dma_semaphore, #tpu.memory_space<semaphore_mem>>) src(%dma_wait3A_194 : memref<10000x128xf32, #tpu.memory_space<hbm>>) dst(%arg9 : memref<128x128xf32, #tpu.memory_space<vmem>>)
      %dma_start3A_195 = arith.constant 0 : i32
      %dma_start3A_196 = tpu.memref_slice %arg8[%add3A_188, %dma_start3A_195] : memref<40x128xi32, #tpu.memory_space<vmem>> -> memref<1x128xi32, #tpu.memory_space<vmem>>
      %dma_start3A_197 = tpu.memref_squeeze %dma_start3A_196 : memref<1x128xi32, #tpu.memory_space<vmem>> -> memref<128xi32, #tpu.memory_space<vmem>>
      %dma_start3A_198 = arith.constant 0 : i32
      %dma_start3A_199 = arith.constant 0 : i32
      %dma_start3A_200 = tpu.memref_slice %arg6[%dma_start3A_198, %dma_start3A_199] : memref<10240x128xf32, #tpu.memory_space<vmem_shared>> -> memref<10240x128xf32, #tpu.memory_space<vmem_shared>>
      tpu.enqueue_indirect_dma source(%arg9 : memref<128x128xf32, #tpu.memory_space<vmem>>) target(%dma_start3A_200 : memref<10240x128xf32, #tpu.memory_space<vmem_shared>>) offsets(%dma_start3A_197 : memref<128xi32, #tpu.memory_space<vmem>>) semaphore(%arg13 : memref<!tpu.dma_semaphore, #tpu.memory_space<semaphore_mem>>) {add = true}
      %dma_wait3A_201 = arith.constant 0 : i32
      %dma_wait3A_202 = tpu.memref_slice %arg8[%add3A_188, %dma_wait3A_201] : memref<40x128xi32, #tpu.memory_space<vmem>> -> memref<1x128xi32, #tpu.memory_space<vmem>>
      %dma_wait3A_203 = tpu.memref_squeeze %dma_wait3A_202 : memref<1x128xi32, #tpu.memory_space<vmem>> -> memref<128xi32, #tpu.memory_space<vmem>>
      %dma_wait3A_204 = arith.constant 0 : i32
      %dma_wait3A_205 = arith.constant 0 : i32
      %dma_wait3A_206 = tpu.memref_slice %arg6[%dma_wait3A_204, %dma_wait3A_205] : memref<10240x128xf32, #tpu.memory_space<vmem_shared>> -> memref<10240x128xf32, #tpu.memory_space<vmem_shared>>
      tpu.wait_indirect_dma semaphore(%arg13 : memref<!tpu.dma_semaphore, #tpu.memory_space<semaphore_mem>>) src(%arg9 : memref<128x128xf32, #tpu.memory_space<vmem>>) dst(%dma_wait3A_206 : memref<10240x128xf32, #tpu.memory_space<vmem_shared>>)
      %add3A_207 = arith.constant 2 : i32
      %add3A_208 = arith.addi %add3A_188, %add3A_207 : i32
      %dma_start3A_209 = arith.constant 0 : i32
      %dma_start3A_210 = tpu.memref_slice %arg7[%add3A_208, %dma_start3A_209] : memref<40x128xi32, #tpu.memory_space<vmem>> -> memref<1x128xi32, #tpu.memory_space<vmem>>
      %dma_start3A_211 = tpu.memref_squeeze %dma_start3A_210 : memref<1x128xi32, #tpu.memory_space<vmem>> -> memref<128xi32, #tpu.memory_space<vmem>>
      %dma_start3A_212 = arith.constant 0 : i32
      %dma_start3A_213 = arith.constant 0 : i32
      %dma_start3A_214 = tpu.memref_slice %arg2[%dma_start3A_212, %dma_start3A_213] : memref<10000x128xf32, #tpu.memory_space<hbm>> -> memref<10000x128xf32, #tpu.memory_space<hbm>>
      tpu.enqueue_indirect_dma source(%dma_start3A_214 : memref<10000x128xf32, #tpu.memory_space<hbm>>) target(%arg9 : memref<128x128xf32, #tpu.memory_space<vmem>>) offsets(%dma_start3A_211 : memref<128xi32, #tpu.memory_space<vmem>>) semaphore(%arg11 : memref<!tpu.dma_semaphore, #tpu.memory_space<semaphore_mem>>)
      %add3A_215 = arith.constant 1 : i32
      %add3A_216 = arith.addi %mul3A_186, %add3A_215 : i32
      %dma_wait3A_217 = arith.constant 0 : i32
      %dma_wait3A_218 = tpu.memref_slice %arg7[%add3A_216, %dma_wait3A_217] : memref<40x128xi32, #tpu.memory_space<vmem>> -> memref<1x128xi32, #tpu.memory_space<vmem>>
      %dma_wait3A_219 = tpu.memref_squeeze %dma_wait3A_218 : memref<1x128xi32, #tpu.memory_space<vmem>> -> memref<128xi32, #tpu.memory_space<vmem>>
      %dma_wait3A_220 = arith.constant 0 : i32
      %dma_wait3A_221 = arith.constant 0 : i32
      %dma_wait3A_222 = tpu.memref_slice %arg2[%dma_wait3A_220, %dma_wait3A_221] : memref<10000x128xf32, #tpu.memory_space<hbm>> -> memref<10000x128xf32, #tpu.memory_space<hbm>>
      tpu.wait_indirect_dma semaphore(%arg12 : memref<!tpu.dma_semaphore, #tpu.memory_space<semaphore_mem>>) src(%dma_wait3A_222 : memref<10000x128xf32, #tpu.memory_space<hbm>>) dst(%arg10 : memref<128x128xf32, #tpu.memory_space<vmem>>)
      %dma_start3A_223 = arith.constant 0 : i32
      %dma_start3A_224 = tpu.memref_slice %arg8[%add3A_216, %dma_start3A_223] : memref<40x128xi32, #tpu.memory_space<vmem>> -> memref<1x128xi32, #tpu.memory_space<vmem>>
      %dma_start3A_225 = tpu.memref_squeeze %dma_start3A_224 : memref<1x128xi32, #tpu.memory_space<vmem>> -> memref<128xi32, #tpu.memory_space<vmem>>
      %dma_start3A_226 = arith.constant 0 : i32
      %dma_start3A_227 = arith.constant 0 : i32
      %dma_start3A_228 = tpu.memref_slice %arg6[%dma_start3A_226, %dma_start3A_227] : memref<10240x128xf32, #tpu.memory_space<vmem_shared>> -> memref<10240x128xf32, #tpu.memory_space<vmem_shared>>
      tpu.enqueue_indirect_dma source(%arg10 : memref<128x128xf32, #tpu.memory_space<vmem>>) target(%dma_start3A_228 : memref<10240x128xf32, #tpu.memory_space<vmem_shared>>) offsets(%dma_start3A_225 : memref<128xi32, #tpu.memory_space<vmem>>) semaphore(%arg14 : memref<!tpu.dma_semaphore, #tpu.memory_space<semaphore_mem>>) {add = true}
      %dma_wait3A_229 = arith.constant 0 : i32
      %dma_wait3A_230 = tpu.memref_slice %arg8[%add3A_216, %dma_wait3A_229] : memref<40x128xi32, #tpu.memory_space<vmem>> -> memref<1x128xi32, #tpu.memory_space<vmem>>
      %dma_wait3A_231 = tpu.memref_squeeze %dma_wait3A_230 : memref<1x128xi32, #tpu.memory_space<vmem>> -> memref<128xi32, #tpu.memory_space<vmem>>
      %dma_wait3A_232 = arith.constant 0 : i32
      %dma_wait3A_233 = arith.constant 0 : i32
      %dma_wait3A_234 = tpu.memref_slice %arg6[%dma_wait3A_232, %dma_wait3A_233] : memref<10240x128xf32, #tpu.memory_space<vmem_shared>> -> memref<10240x128xf32, #tpu.memory_space<vmem_shared>>
      tpu.wait_indirect_dma semaphore(%arg14 : memref<!tpu.dma_semaphore, #tpu.memory_space<semaphore_mem>>) src(%arg10 : memref<128x128xf32, #tpu.memory_space<vmem>>) dst(%dma_wait3A_234 : memref<10240x128xf32, #tpu.memory_space<vmem_shared>>)
      %add3A_235 = arith.constant 2 : i32
      %add3A_236 = arith.addi %add3A_216, %add3A_235 : i32
      %dma_start3A_237 = arith.constant 0 : i32
      %dma_start3A_238 = tpu.memref_slice %arg7[%add3A_236, %dma_start3A_237] : memref<40x128xi32, #tpu.memory_space<vmem>> -> memref<1x128xi32, #tpu.memory_space<vmem>>
      %dma_start3A_239 = tpu.memref_squeeze %dma_start3A_238 : memref<1x128xi32, #tpu.memory_space<vmem>> -> memref<128xi32, #tpu.memory_space<vmem>>
      %dma_start3A_240 = arith.constant 0 : i32
      %dma_start3A_241 = arith.constant 0 : i32
      %dma_start3A_242 = tpu.memref_slice %arg2[%dma_start3A_240, %dma_start3A_241] : memref<10000x128xf32, #tpu.memory_space<hbm>> -> memref<10000x128xf32, #tpu.memory_space<hbm>>
      tpu.enqueue_indirect_dma source(%dma_start3A_242 : memref<10000x128xf32, #tpu.memory_space<hbm>>) target(%arg10 : memref<128x128xf32, #tpu.memory_space<vmem>>) offsets(%dma_start3A_239 : memref<128xi32, #tpu.memory_space<vmem>>) semaphore(%arg12 : memref<!tpu.dma_semaphore, #tpu.memory_space<semaphore_mem>>)
      %scan3A_243 = arith.constant 0 : i32
      scf.yield %scan3A_243 : i32
    }
    %scan3A_135 = arith.constant 19 : i32
    %dma_wait3A_136 = arith.constant 38 : i32
    %dma_wait3A_137 = arith.constant 0 : i32
    %dma_wait3A_138 = tpu.memref_slice %arg7[%dma_wait3A_136, %dma_wait3A_137] : memref<40x128xi32, #tpu.memory_space<vmem>> -> memref<1x128xi32, #tpu.memory_space<vmem>>
    %dma_wait3A_139 = tpu.memref_squeeze %dma_wait3A_138 : memref<1x128xi32, #tpu.memory_space<vmem>> -> memref<128xi32, #tpu.memory_space<vmem>>
    %dma_wait3A_140 = arith.constant 0 : i32
    %dma_wait3A_141 = arith.constant 0 : i32
    %dma_wait3A_142 = tpu.memref_slice %arg2[%dma_wait3A_140, %dma_wait3A_141] : memref<10000x128xf32, #tpu.memory_space<hbm>> -> memref<10000x128xf32, #tpu.memory_space<hbm>>
    tpu.wait_indirect_dma semaphore(%arg11 : memref<!tpu.dma_semaphore, #tpu.memory_space<semaphore_mem>>) src(%dma_wait3A_142 : memref<10000x128xf32, #tpu.memory_space<hbm>>) dst(%arg9 : memref<128x128xf32, #tpu.memory_space<vmem>>)
    %dma_start3A_143 = arith.constant 38 : i32
    %dma_start3A_144 = arith.constant 0 : i32
    %dma_start3A_145 = tpu.memref_slice %arg8[%dma_start3A_143, %dma_start3A_144] : memref<40x128xi32, #tpu.memory_space<vmem>> -> memref<1x128xi32, #tpu.memory_space<vmem>>
    %dma_start3A_146 = tpu.memref_squeeze %dma_start3A_145 : memref<1x128xi32, #tpu.memory_space<vmem>> -> memref<128xi32, #tpu.memory_space<vmem>>
    %dma_start3A_147 = arith.constant 0 : i32
    %dma_start3A_148 = arith.constant 0 : i32
    %dma_start3A_149 = tpu.memref_slice %arg6[%dma_start3A_147, %dma_start3A_148] : memref<10240x128xf32, #tpu.memory_space<vmem_shared>> -> memref<10240x128xf32, #tpu.memory_space<vmem_shared>>
    tpu.enqueue_indirect_dma source(%arg9 : memref<128x128xf32, #tpu.memory_space<vmem>>) target(%dma_start3A_149 : memref<10240x128xf32, #tpu.memory_space<vmem_shared>>) offsets(%dma_start3A_146 : memref<128xi32, #tpu.memory_space<vmem>>) semaphore(%arg13 : memref<!tpu.dma_semaphore, #tpu.memory_space<semaphore_mem>>) {add = true}
    %dma_wait3A_150 = arith.constant 38 : i32
    %dma_wait3A_151 = arith.constant 0 : i32
    %dma_wait3A_152 = tpu.memref_slice %arg8[%dma_wait3A_150, %dma_wait3A_151] : memref<40x128xi32, #tpu.memory_space<vmem>> -> memref<1x128xi32, #tpu.memory_space<vmem>>
    %dma_wait3A_153 = tpu.memref_squeeze %dma_wait3A_152 : memref<1x128xi32, #tpu.memory_space<vmem>> -> memref<128xi32, #tpu.memory_space<vmem>>
    %dma_wait3A_154 = arith.constant 0 : i32
    %dma_wait3A_155 = arith.constant 0 : i32
    %dma_wait3A_156 = tpu.memref_slice %arg6[%dma_wait3A_154, %dma_wait3A_155] : memref<10240x128xf32, #tpu.memory_space<vmem_shared>> -> memref<10240x128xf32, #tpu.memory_space<vmem_shared>>
    tpu.wait_indirect_dma semaphore(%arg13 : memref<!tpu.dma_semaphore, #tpu.memory_space<semaphore_mem>>) src(%arg9 : memref<128x128xf32, #tpu.memory_space<vmem>>) dst(%dma_wait3A_156 : memref<10240x128xf32, #tpu.memory_space<vmem_shared>>)
    %dma_wait3A_157 = arith.constant 39 : i32
    %dma_wait3A_158 = arith.constant 0 : i32
    %dma_wait3A_159 = tpu.memref_slice %arg7[%dma_wait3A_157, %dma_wait3A_158] : memref<40x128xi32, #tpu.memory_space<vmem>> -> memref<1x128xi32, #tpu.memory_space<vmem>>
    %dma_wait3A_160 = tpu.memref_squeeze %dma_wait3A_159 : memref<1x128xi32, #tpu.memory_space<vmem>> -> memref<128xi32, #tpu.memory_space<vmem>>
    %dma_wait3A_161 = arith.constant 0 : i32
    %dma_wait3A_162 = arith.constant 0 : i32
    %dma_wait3A_163 = tpu.memref_slice %arg2[%dma_wait3A_161, %dma_wait3A_162] : memref<10000x128xf32, #tpu.memory_space<hbm>> -> memref<10000x128xf32, #tpu.memory_space<hbm>>
    tpu.wait_indirect_dma semaphore(%arg12 : memref<!tpu.dma_semaphore, #tpu.memory_space<semaphore_mem>>) src(%dma_wait3A_163 : memref<10000x128xf32, #tpu.memory_space<hbm>>) dst(%arg10 : memref<128x128xf32, #tpu.memory_space<vmem>>)
    %dma_start3A_164 = arith.constant 39 : i32
    %dma_start3A_165 = arith.constant 0 : i32
    %dma_start3A_166 = tpu.memref_slice %arg8[%dma_start3A_164, %dma_start3A_165] : memref<40x128xi32, #tpu.memory_space<vmem>> -> memref<1x128xi32, #tpu.memory_space<vmem>>
    %dma_start3A_167 = tpu.memref_squeeze %dma_start3A_166 : memref<1x128xi32, #tpu.memory_space<vmem>> -> memref<128xi32, #tpu.memory_space<vmem>>
    %dma_start3A_168 = arith.constant 0 : i32
    %dma_start3A_169 = arith.constant 0 : i32
    %dma_start3A_170 = tpu.memref_slice %arg6[%dma_start3A_168, %dma_start3A_169] : memref<10240x128xf32, #tpu.memory_space<vmem_shared>> -> memref<10240x128xf32, #tpu.memory_space<vmem_shared>>
    tpu.enqueue_indirect_dma source(%arg10 : memref<128x128xf32, #tpu.memory_space<vmem>>) target(%dma_start3A_170 : memref<10240x128xf32, #tpu.memory_space<vmem_shared>>) offsets(%dma_start3A_167 : memref<128xi32, #tpu.memory_space<vmem>>) semaphore(%arg14 : memref<!tpu.dma_semaphore, #tpu.memory_space<semaphore_mem>>) {add = true}
    %dma_wait3A_171 = arith.constant 39 : i32
    %dma_wait3A_172 = arith.constant 0 : i32
    %dma_wait3A_173 = tpu.memref_slice %arg8[%dma_wait3A_171, %dma_wait3A_172] : memref<40x128xi32, #tpu.memory_space<vmem>> -> memref<1x128xi32, #tpu.memory_space<vmem>>
    %dma_wait3A_174 = tpu.memref_squeeze %dma_wait3A_173 : memref<1x128xi32, #tpu.memory_space<vmem>> -> memref<128xi32, #tpu.memory_space<vmem>>
    %dma_wait3A_175 = arith.constant 0 : i32
    %dma_wait3A_176 = arith.constant 0 : i32
    %dma_wait3A_177 = tpu.memref_slice %arg6[%dma_wait3A_175, %dma_wait3A_176] : memref<10240x128xf32, #tpu.memory_space<vmem_shared>> -> memref<10240x128xf32, #tpu.memory_space<vmem_shared>>
    tpu.wait_indirect_dma semaphore(%arg14 : memref<!tpu.dma_semaphore, #tpu.memory_space<semaphore_mem>>) src(%arg10 : memref<128x128xf32, #tpu.memory_space<vmem>>) dst(%dma_wait3A_177 : memref<10240x128xf32, #tpu.memory_space<vmem_shared>>)
    %barrier3A_178 = arith.constant 0 : index
    tpu.barrier barrier_id(%barrier3A_178)
    %mul3A_179 = arith.constant 640 : i32
    %mul3A_180 = arith.muli %arg1, %mul3A_179 : i32
    %mul3A_181 = arith.constant 640 : i32
    %mul3A_182 = arith.muli %arg1, %mul3A_181 : i32
    "tpu.region"() ({
      %run_scoped3A = tpu.sem_alloc : memref<!tpu.dma_semaphore, #tpu.memory_space<semaphore_mem>>
      %dma_start3A_183 = arith.constant 0 : i32
      %dma_start3A_184 = tpu.memref_slice %arg5[%arg0, %mul3A_182, %dma_start3A_183] : memref<2x10240x128xf32, #tpu.memory_space<hbm>> -> memref<1x640x128xf32, #tpu.memory_space<hbm>>
      %dma_start3A_185 = tpu.memref_squeeze %dma_start3A_184 : memref<1x640x128xf32, #tpu.memory_space<hbm>> -> memref<640x128xf32, #tpu.memory_space<hbm>>
      %dma_start3A_186 = arith.constant 0 : i32
      %dma_start3A_187 = tpu.memref_slice %arg6[%mul3A_180, %dma_start3A_186] : memref<10240x128xf32, #tpu.memory_space<vmem_shared>> -> memref<640x128xf32, #tpu.memory_space<vmem_shared>>
      tpu.enqueue_dma source(%dma_start3A_187 : memref<640x128xf32, #tpu.memory_space<vmem_shared>>) target(%dma_start3A_185 : memref<640x128xf32, #tpu.memory_space<hbm>>) target_semaphore(%run_scoped3A : memref<!tpu.dma_semaphore, #tpu.memory_space<semaphore_mem>>)
      %dma_wait3A_188 = arith.constant 0 : i32
      %dma_wait3A_189 = tpu.memref_slice %arg5[%arg0, %mul3A_182, %dma_wait3A_188] : memref<2x10240x128xf32, #tpu.memory_space<hbm>> -> memref<1x640x128xf32, #tpu.memory_space<hbm>>
      %dma_wait3A_190 = tpu.memref_squeeze %dma_wait3A_189 : memref<1x640x128xf32, #tpu.memory_space<hbm>> -> memref<640x128xf32, #tpu.memory_space<hbm>>
      %dma_wait3A_191 = arith.constant 0 : i32
      %dma_wait3A_192 = tpu.memref_slice %arg6[%mul3A_180, %dma_wait3A_191] : memref<10240x128xf32, #tpu.memory_space<vmem_shared>> -> memref<640x128xf32, #tpu.memory_space<vmem_shared>>
      tpu.wait_dma2 semaphore(%run_scoped3A : memref<!tpu.dma_semaphore, #tpu.memory_space<semaphore_mem>>) src(%dma_wait3A_192 : memref<640x128xf32, #tpu.memory_space<vmem_shared>>) dst(%dma_wait3A_190 : memref<640x128xf32, #tpu.memory_space<hbm>>)
      tpu.yield
    }) : () -> ()
    return
  }
}

</mosaic_0001>

<sc_bundles>
// kernel: _edge_pass.3.cloned.1.call-start
scs
__scs_entry_jumppad:
0x0: {  	(pc) =	sbr.rel $0x88, $3  }
0x1: {  	(tag) =	ssettag $0x0;
	lr =	simm.s32 $0x1  }
0x2: {  	[smem:$0x3F9E] =	sst lr;
	_ =	strace $0xD0000000  }
0x3: {  	_ = 	snop  }
0x4: {  	_ = 	snop  }
0x5: {  	_ = 	snop  }
0x6: {  	_ = 	snop  }
0x7: {  	_ = 	snop  }
__scs_overlays_trampoline_lowered:
0x8: {  	[smem:$0x3FAD] =	sst s0  }
0x9: {  	[smem:$0x3FAE] =	sst s1  }
0xa: {  	[smem:$0x3FAF] =	sst s2  }
0xb: {  	[smem:$0x3FB0] =	sst s3  }
0xc: {  	[smem:$0x3FB1] =	sst s4  }
0xd: {  	[smem:$0x3FB2] =	sst s5  }
0xe: {  	[smem:$0x3FB3] =	sst s6  }
0xf: {  	[smem:$0x3FB4] =	sst s7  }
0x10: {  	[smem:$0x3FB5] =	sst s8  }
0x11: {  	[smem:$0x3FB6] =	sst s9;
	s0 =	simm.s32 @!p0 $0x0  }
0x12: {  	s1 =	sld [smem:$0x3F9C];
	s0 =	simm.s32 @p0 $0x1  }
0x13: {  	[smem:$0x3FB7] =	sst s0;
	s0 =	simm.s32 @!p1 $0x0  }
0x14: {  	s2 =	sld [smem:$0x3F9B];
	s0 =	simm.s32 @p1 $0x1  }
0x15: {  	[smem:$0x3FB8] =	sst s0;
	s0 =	simm.s32 @!p2 $0x0  }
0x16: {  	s3 =	sld [smem:$0x3FDB];
	s0 =	simm.s32 @p2 $0x1  }
0x17: {  	s4 =	simm.s32 $0x1BF5;
	[smem:$0x3FBA] =	sst s0  }
0x18: {  	s0 =	sld [smem:$0x3F9D];
	_ =	swait.ge [sflag:s4], $0x0  }
0x19: {  	s7 =	sld [smem:$0x3F9E]  }
0x1a: {  	s8 =	sadd.s32 $0xFFFFE003, lr  }
0x1b: {  	s9 =	sadd.s32 $0xFFFFFEF7, lr;
	s5 =	simm.s32 $0xFFFFFFFF;
	p2 =	slt.u32 s8, $0xFFFFF086  }
0x1c: {  	p1 =	slt.u32 s9, $0xF7A;
	s5 =	simm.s32 @!p2 $0x0  }
0x1d: {  	s5 =	simm.s32 @p1 $0x1;
	p0 =	seq.s32 s7, s2  }
0x1e: {  	s7 =	smul.u32 @!p0 $0xF7A, s2;
	p2 =	seq.s32 @!p0 s5, $0x0  }
0x1f: {  	s9 =	smul.u32 $0xF7A, s1;
	s8 =	simm.s32 @!p0 $0x1BF5;
	p2 =	por !p2, p0  }
0x20: {  	[sflag:s8] =	ssyncset.s32 @!p0 $0xFFFFF086;
	s6 =	sadd.s32 @!p0 s3, s7;
	s7 =	simm.s32 @!p0 $0x108  }
0x21: {  	s3 =	sadd.s32 s3, s9;
	s6 =	sadd.s32 @!p0 $0x88, s6;
	s7 =	simm.s32 @p2 $0x1082  }
0x22: {  	[simem:s7], [sflag:s8] =	dma.local @!p0 [hbm:s6], $0xF7A  }
0x23: {  	s9 =	sor.u32 $0xD0000000, s2;
	s6 =	simm.s32 $0x108;
	_ =	swait.ge @!p0 [sflag:s8], $0x0  }
0x24: {  	s3 =	sadd.s32 $0x88, s3;
	s6 =	simm.s32 @!p1 $0x1082;
	[sflag:s4] =	ssyncset.s32 $0xFFFFF086  }
0x25: {  	[simem:s6], [sflag:s4] =	dma.local [hbm:s3], $0xF7A  }
0x26: {  	[smem:$0x3F9E] =	sst s1;
	(tag) =	ssettag s2;
	_ =	strace s9  }
0x27: {  	s1 =	sld [smem:$0x3FAE]  }
0x28: {  	s2 =	sld [smem:$0x3FAF]  }
0x29: {  	s4 =	sld [smem:$0x3FB1]  }
0x2a: {  	p0 =	seq.s32 s5, $0x0;
	s5 =	sld [smem:$0x3FB2]  }
0x2b: {  	s6 =	sld [smem:$0x3FB3]  }
0x2c: {  	s7 =	sld [smem:$0x3FB4]  }
0x2d: {  	s3 =	simm.s32 $0x108;
	s8 =	sld [smem:$0x3FB5]  }
0x2e: {  	s3 =	simm.s32 @!p0 $0x1082;
	s9 =	sld [smem:$0x3FB6]  }
0x2f: {  	lr =	sadd.s32 s0, s3;
	s0 =	sld [smem:$0x3FAD]  }
0x30: {  	s3 =	sld [smem:$0x3FB0]  }
0x31: {  	[smem:$0x3FB9] =	sst s10  }
0x32: {  	s10 =	sld [smem:$0x3FB7];
	_ =	sdelay $0x3  }
0x33: {  	p0 =	seq.s32 s10, $0x1;
	s10 =	sld [smem:$0x3FB9];
	_ =	sdelay $0x3  }
0x34: {  	[smem:$0x3FB9] =	sst s10  }
0x35: {  	s10 =	sld [smem:$0x3FB8];
	_ =	sdelay $0x3  }
0x36: {  	p1 =	seq.s32 s10, $0x1;
	s10 =	sld [smem:$0x3FB9];
	_ =	sdelay $0x3  }
0x37: {  	[smem:$0x3FB9] =	sst s10  }
0x38: {  	s10 =	sld [smem:$0x3FBA]  }
0x39: {  	_ = 	snop;
	(pc) =	sbr.ind lr, $3  }
0x3a: {  	_ = 	snop  }
0x3b: {  	_ = 	snop  }
0x3c: {  	p2 =	seq.s32 s10, $0x1;
	s10 =	sld [smem:$0x3FB9]  }
0x3d: {  	_ =	shalt  }
0x3e: {  	_ =	shalt  }
0x3f: {  	_ =	shalt  }
0x40: {  	_ =	shalt  }
0x41: {  	_ =	shalt  }
0x42: {  	_ =	shalt  }
0x43: {  	_ =	shalt  }
0x44: {  	_ =	shalt  }
0x45: {  	_ =	shalt  }
0x46: {  	_ =	shalt  }
0x47: {  	_ =	shalt  }
0x48: {  	_ =	shalt  }
0x49: {  	_ =	shalt  }
0x4a: {  	_ =	shalt  }
0x4b: {  	_ =	shalt  }
0x4c: {  	_ =	shalt  }
0x4d: {  	_ =	shalt  }
0x4e: {  	_ =	shalt  }
0x4f: {  	_ =	shalt  }
0x50: {  	_ =	shalt  }
0x51: {  	_ =	shalt  }
0x52: {  	_ =	shalt  }
0x53: {  	_ =	shalt  }
0x54: {  	_ =	shalt  }
0x55: {  	_ =	shalt  }
0x56: {  	_ =	shalt  }
0x57: {  	_ =	shalt  }
0x58: {  	_ =	shalt  }
0x59: {  	_ =	shalt  }
0x5a: {  	_ =	shalt  }
0x5b: {  	_ =	shalt  }
0x5c: {  	_ =	shalt  }
0x5d: {  	_ =	shalt  }
0x5e: {  	_ =	shalt  }
0x5f: {  	_ =	shalt  }
0x60: {  	_ =	shalt  }
0x61: {  	_ =	shalt  }
0x62: {  	_ =	shalt  }
0x63: {  	_ =	shalt  }
0x64: {  	_ =	shalt  }
0x65: {  	_ =	shalt  }
0x66: {  	_ =	shalt  }
0x67: {  	_ =	shalt  }
0x68: {  	_ =	shalt  }
0x69: {  	_ =	shalt  }
0x6a: {  	_ =	shalt  }
0x6b: {  	_ =	shalt  }
0x6c: {  	_ =	shalt  }
0x6d: {  	_ =	shalt  }
0x6e: {  	_ =	shalt  }
0x6f: {  	_ =	shalt  }
0x70: {  	_ =	shalt  }
0x71: {  	_ =	shalt  }
0x72: {  	_ =	shalt  }
0x73: {  	_ =	shalt  }
0x74: {  	_ =	shalt  }
0x75: {  	_ =	shalt  }
0x76: {  	_ =	shalt  }
0x77: {  	_ =	shalt  }
0x78: {  	_ =	shalt  }
0x79: {  	_ =	shalt  }
0x7a: {  	_ =	shalt  }
0x7b: {  	_ =	shalt  }
0x7c: {  	_ =	shalt  }
0x7d: {  	_ =	shalt  }
0x7e: {  	_ =	shalt  }
0x7f: {  	_ =	shalt  }
0x80: {  	_ =	shalt  }
0x81: {  	_ =	shalt  }
0x82: {  	_ =	shalt  }
0x83: {  	_ =	shalt  }
0x84: {  	_ =	shalt  }
0x85: {  	_ =	shalt  }
0x86: {  	_ =	shalt  }
0x87: {  	_ =	shalt  }
.Lfunc_end0:
.L_simem_size_0:
called_computation_lowered:
.L_overlay_start_0:
0x88: {  	s2 =	sld [smem:$0x3FD9]  }
0x89: {  	s3 =	sld [smem:$0x3FFE];
	_ =	sdelay $0x1  }
0x8a: {  	s1 =	srdreg.scid  }
0x8b: {  	s0 =	sand.u32 $0x1, s1  }
0x8c: {  	s18 =	sshll.u32 s0, $0xA;
	s2 =	sadd.s32 s3, s2  }
0x8d: {  	s2 =	sadd.s32 s2, s18  }
0x8e: {  	[smem:$0x3FC5] =	sst s2  }
0x8f: {  	_ = 	snop  }
0x90: {  	s2 =	sld [smem:$0x3FC9]  }
0x91: {  	s19 =	sld [smem:$0x3FC8]  }
0x92: {  	s4 =	sld [smem:$0x3FC7]  }
0x93: {  	s5 =	sld [smem:$0x3FD0];
	(tm) =	ssettm $0x1  }
0x94: {  	s6 =	sld [smem:$0x3FFB];
	_ =	sdelay $0x3  }
0x95: {  	_ =	strace s6  }
0x96: {  	s6 =	sld [smem:$0x3FFC];
	_ =	sdelay $0x3  }
0x97: {  	_ =	strace s6  }
0x98: {  	s6 =	sld [smem:$0x3FFD];
	_ =	sdelay $0x3  }
0x99: {  	_ =	strace s6  }
0x9a: {  	_ =	strace $0x8FFFFFFF  }
0x9b: {  	s20 =	sld [smem:$0x3FDB];
	_ =	sdelay $0x1  }
0x9c: {  	s7 =	simm.s32 $_scs_section_size  }
0x9d: {  	s8 =	simm.s32 $_size__tile_overlayer_lowered;
	s9 =	simm.s32 $_tile_overlayer_lowered  }
0x9e: {  	s23 =	simm.s32 $0x1BFF;
	s22 =	sshll.u32 s9, $0x1;
	s6 =	sadd.s32 s7, s20  }
0x9f: {  	s10 =	simm.s32 $0x0;
	s21 =	sshll.u32 s8, $0x1;
	s8 =	sadd.s32 s22, s6  }
0xa0: {  	[timem:s10], [sflag:s23] =	dma.local [hbm:s8], s21  }
0xa1: {  	_ =	swait.ge [sflag:s23], s21  }
0xa2: {  	s7 =	ssub.s32 $0x0, s21;
	[sflag:s23] =	ssyncset.done $0x0  }
0xa3: {  	[sflag:s23] =	ssyncadd.s32 s7;
	_ =	sdelay $0x1  }
0xa4: {  	s24 =	simm.s32 $0x1B8B  }
0xa5: {  	_ =	swait.ge [sflag:s24], $0x1  }
0xa6: {  	[sflag:s24] =	ssyncset.done $0x0  }
0xa7: {  	s25 =	simm.s32 $0x1B8E;
	[sflag:s24] =	ssyncadd.s32 $0xFFFFFFFF  }
0xa8: {  	s26 =	simm.s32 $execute0_lowered;
	[smem:$0x3FD2] =	sst s25  }
0xa9: {  	s7 =	sshll.u32 s26, $0x1;
	_ =	strace $0x80000046;
	[dreg:$0x1] =	wrdreg $0xFFFFFFFF  }
0xaa: {  	s28 =	simm.s32 $_size_execute0_lowered;
	s6 =	sadd.s32 s6, s7;
	[dreg:$0x0] =	wrdreg $0x0  }
0xab: {  	s7 =	sshll.u32 s28, $0x1;
	[dreg:$0x2] =	wrdreg s6  }
0xac: {  	[dreg:$0x3] =	wrdreg s7  }
0xad: {  	[dreg:$0x4] =	wrdreg $0xC0  }
0xae: {  	_ =	task [dreg:s10], $0x5FFFF  }
0xaf: {  	[dreg:$0x1] =	wrdreg $0xFFFFFFFF  }
0xb0: {  	[dreg:$0x0] =	wrdreg $0x60  }
0xb1: {  	[dreg:$0x2] =	wrdreg s2  }
0xb2: {  	[dreg:$0x3] =	wrdreg s19  }
0xb3: {  	[dreg:$0x4] =	wrdreg s4  }
0xb4: {  	[dreg:$0x5] =	wrdreg s5  }
0xb5: {  	[dreg:$0x6] =	wrdreg $0x0  }
0xb6: {  	[dreg:$0x7] =	wrdreg $0x9  }
0xb7: {  	_ =	task.clear_ibuf [dreg:s10], $0x8FFFF;
	_ =	strace $0x90000046  }
0xb8: {  	s29 =	simm.s32 $0x9;
	_ =	strace $0x80000048  }
0xb9: {  	_ =	swait.ge [sflag:s29], $0x1  }
0xba: {  	[sflag:s29] =	ssyncadd.s32 $0xFFFFFFFF  }
0xbb: {  	_ =	strace $0x90000048  }
0xbc: {  	_ =	sfence  }
0xbd: {  	s30 =	sld [smem:$0x0];
	_ =	sdelay $0x2  }
0xbe: {  	s31 =	sshll.u32 s1, $0xD;
	s1 =	sshrl.u32 s1, $0x2  }
0xbf: {  	s3 =	sand.u32 $0x4000, s31;
	s1 =	sadd.s32 s1, s30  }
0xc0: {  	s0 =	sor.u32 s3, s0;
	s1 =	sshll.u32 s1, $0x11  }
0xc1: {  	s0 =	sor.u32 s1, s0  }
0xc2: {  	s0 =	sadd.s32 $0x8F2B, s0  }
0xc3: {  	[sflag:s0] =	ssyncadd.remote.s32 $0x1  }
0xc4: {  	_ =	sfence.sel $0xFFFF  }
0xc5: {  	[dreg:$0x0] =	wrdreg $0xFFFFFFFF;
	(pc) =	sbr.abs _section_cstart, $3  }
0xc6: {  	[dreg:$0x1] =	wrdreg $0xFFFFFFFF  }
0xc7: {  	_ =	task.clear_ibuf [dreg:s10], $0x2FFFF;
	_ =	strace $0x9FFFFFFF  }
0xc8: {  	(tm) =	ssettm $0x7FFFFFFF  }
0xc9: {  	_ =	shalt  }
tec
execute0_lowered:
.L_overlay_start_1:
0x0: {  	(tag) =	ssettag $0x1  }
0x1: {  	s1 =	rddreg [dreg:$0x0]  }
0x2: {  	s0 =	rddreg [dreg:$0x1];
	s2 =	srdreg.scid  }
0x3: {  	s12 =	stileid.u32;
	s4 =	rddreg [dreg:$0x2]  }
0x4: {  	s10 =	rddreg [dreg:$0x3];
	s7 =	simm.s32 $0x0;
	s16 =	simm.s32 $0x16800  }
0x5: {  	s17 =	simm.s32 $0x6;
	s18 =	simm.s32 $0x14000;
	s19 =	simm.s32 $0x5  }
0x6: {  	s28 =	simm.s32 $0x4;
	s29 =	simm.s32 $0x16700;
	s30 =	simm.s32 $0x16780  }
0x7: {  	s31 =	simm.s32 $0x0;
	s2 =	sand.u32 $0x1, s2;
	s9 =	smul.u32 $0x14000, s12  }
0x8: {  	s3 =	sshll.u32 s12, $0x1;
	[smem:$0x7FF] =	sst s7;
	s22 =	smul.u32 $0x50000, s12  }
0x9: {  	s5 =	sor.u32 s2, s3;
	s20 =	ssub.s32 $0x2, s2;
	s2 =	smul.u32 $0x140000, s2  }
0xa: {  	s3 =	rddreg [dreg:$0x4];
	_ =	strace $0x80000047;
	s6 =	smul.u32 $0x500, s5  }
0xb: {  	s5 =	smul.u32 $0x2800, s5;
	s8 =	sshrl.u32 s20, $0x1;
	s26 =	sshrl.u32 s22, $0x2  }
0xc: {  	s22 =	simm.s32 $0x14080;
	s11 =	ssub.s32 s20, s8;
	s25 =	sadd.s32 s9, s2  }
0xd: {  	s9 =	sadd.s32 s26, s3;
	s20 =	simm.s32 $0x15400;
	s26 =	simm.s32 $0x2  }
0xe: {  	s21 =	sshrl.u32 s5, $0x3;
	s23 =	sadd.s32 s0, s6;
	s6 =	sadd.s32 s4, s6  }
0xf: {  	s11 =	smax.u32 s11, $0x1;
	s12 =	sadd.s32 $0x4000, s9;
	s13 =	sadd.s32 $0x8000, s9  }
0x10: {  	s14 =	sadd.s32 $0xC000, s9;
	s15 =	sadd.s32 $0x10000, s9;
	[dreg:$0x6] =	wrdreg s23  }
0x11: {  	s24 =	sadd.s32 $0x280, s21;
	s21 =	simm.s32 $0x80;
	s23 =	simm.s32 $0x1A800  }
0x12: {  	s7 =	sadd.s32 s0, s24;
	s8 =	sadd.s32 s4, s24;
	s0 =	sshrl.u32 s25, $0x3  }
0x13: {  	v0 =	vimm.f32 $0.0e+00;
	s24 =	simm.s32 $0x1;
	s25 =	simm.s32 $0x3;
	s10 =	sadd.s32 s10, s0  }
.LBB2_1:
0x14: {  	s2 =	simm.s32 $0x0  }
0x15: {  	s0 =	sand.u32 $0xFE00, s2  }
0x16: {  	s4 =	sand.u32 $0x70, s2;
	s0 =	sshrl.u32 s0, $0x2  }
0x17: {  	s2 =	simm.s32 $0x40;
	s4 =	sor.u32 s4, s0;
	s0 =	simm.s32 $0x0  }
.LBB2_2:
0x18: {  	p0 =	sne.s32 s2, $0xFFC0  }
0x19: {  	[tilespmem:s4+$0x16800] =	vst v0;
	s0 =	sadd.s32 $0x10, s0;
	s4 =	smov.u32 s2;
	s2 =	sadd.s32 $0x40, s2  }
.Ltmp0:
0x1a: {  	(pc) =	sbr.rel @p0 .LBB2_2-.Ltmp0, $4  }
0x1b: {  	_ = 	snop  }
0x1c: {  	s4 =	sand.u32 $0xFE00, s4  }
0x1d: {  	s5 =	sand.u32 $0x70, s0;
	s4 =	sshrl.u32 s4, $0x2  }
0x1e: {  	s4 =	sor.u32 s5, s4  }
0x1f: {  	[tilespmem:s4+$0x16800] =	vst v0  }
0x20: {  	[spmem:s9] =	stream.linear.scatter [tilespmem:s16], [sflag:$0x6], $0x4000, $0x38;
	[tilespmem:$0x1E800] =	vst v63  }
0x21: {  	_ =	swait.ge [sflag:s17], $0x4000  }
0x22: {  	[sflag:s17] =	ssyncset.done $0x0  }
0x23: {  	[sflag:s17] =	ssyncadd.s32 $0xFFFFC000  }
0x24: {  	[spmem:s12] =	stream.linear.scatter [tilespmem:s16], [sflag:$0x6], $0x4000, $0x38;
	[tilespmem:$0x1E800] =	vst v63  }
0x25: {  	_ =	swait.ge [sflag:s17], $0x4000  }
0x26: {  	[sflag:s17] =	ssyncset.done $0x0  }
0x27: {  	[sflag:s17] =	ssyncadd.s32 $0xFFFFC000  }
0x28: {  	[spmem:s13] =	stream.linear.scatter [tilespmem:s16], [sflag:$0x6], $0x4000, $0x38;
	[tilespmem:$0x1E800] =	vst v63  }
0x29: {  	_ =	swait.ge [sflag:s17], $0x4000  }
0x2a: {  	[sflag:s17] =	ssyncset.done $0x0  }
0x2b: {  	[sflag:s17] =	ssyncadd.s32 $0xFFFFC000  }
0x2c: {  	[spmem:s14] =	stream.linear.scatter [tilespmem:s16], [sflag:$0x6], $0x4000, $0x38;
	[tilespmem:$0x1E800] =	vst v63  }
0x2d: {  	_ =	swait.ge [sflag:s17], $0x4000  }
0x2e: {  	[sflag:s17] =	ssyncset.done $0x0  }
0x2f: {  	[sflag:s17] =	ssyncadd.s32 $0xFFFFC000  }
0x30: {  	[spmem:s15] =	stream.linear.scatter [tilespmem:s16], [sflag:$0x6], $0x4000, $0x38;
	[tilespmem:$0x1E800] =	vst v63  }
0x31: {  	_ =	swait.ge [sflag:s17], $0x4000  }
0x32: {  	[sflag:s17] =	ssyncset.done $0x0  }
0x33: {  	[sflag:s17] =	ssyncadd.s32 $0xFFFFC000  }
0x34: {  	[bflag:$0x0] =	sbarrier.arrive $0xFFFF  }
0x35: {  	s0 =	simm.s32 $0x0;
	s2 =	rddreg [dreg:$0x6]  }
0x36: {  	[tilespmem:s18], [sflag:$0x5] =	stream.linear.gather [hbm4b:s2+s0], $0x1400, $0x38;
	[tilespmem:$0x1E800] =	vst v63  }
0x37: {  	_ =	swait.ge [sflag:s19], $0x1400  }
0x38: {  	[sflag:s19] =	ssyncset.done $0x0  }
0x39: {  	[sflag:s19] =	ssyncadd.s32 $0xFFFFEC00  }
0x3a: {  	[tilespmem:s20], [sflag:$0x5] =	stream.linear.gather [hbm4b:s6+s0], $0x1400, $0x38;
	[tilespmem:$0x1E800] =	vst v63  }
0x3b: {  	_ =	swait.ge [sflag:s19], $0x1400  }
0x3c: {  	[sflag:s19] =	ssyncset.done $0x0  }
0x3d: {  	[sflag:s19] =	ssyncadd.s32 $0xFFFFEC00  }
0x3e: {  	[tilespmem:s16], [sflag:$0x1] =	stream.indirect.gather [hbm4b:s1+s21], $0x80, s18, s21, $0xb8;
	[tilespmem:$0x1E800] =	vst v63  }
0x3f: {  	_ = 	snop  }
0x40: {  	[tilespmem:s23], [sflag:$0x2] =	stream.indirect.gather [hbm4b:s1+s21], $0x80, s22, s21, $0xb8;
	[tilespmem:$0x1E800] =	vst v63  }
0x41: {  	_ =	swait.ge [sflag:s24], $0x4000  }
0x42: {  	[sflag:s24] =	ssyncset.done $0x0  }
0x43: {  	s2 =	simm.s32 $0x15400;
	[sflag:s24] =	ssyncadd.s32 $0xFFFFC000  }
0x44: {  	[spmem:s3] =	stream.indirect.scatter.add.f32 [tilespmem:s16], [sflag:$0x3], $0x80, s2, s21, $0xb8;
	[tilespmem:$0x1E800] =	vst v63  }
0x45: {  	_ =	swait.ge [sflag:s25], $0x4000  }
0x46: {  	[sflag:s25] =	ssyncset.done $0x0  }
0x47: {  	s4 =	simm.s32 $0x14100;
	[sflag:s25] =	ssyncadd.s32 $0xFFFFC000  }
0x48: {  	[tilespmem:s16], [sflag:$0x1] =	stream.indirect.gather [hbm4b:s1+s21], $0x80, s4, s21, $0xb8;
	[tilespmem:$0x1E800] =	vst v63  }
0x49: {  	_ =	swait.ge [sflag:s26], $0x4000  }
0x4a: {  	[sflag:s26] =	ssyncset.done $0x0  }
0x4b: {  	s5 =	simm.s32 $0x15480;
	[sflag:s26] =	ssyncadd.s32 $0xFFFFC000  }
0x4c: {  	[spmem:s3] =	stream.indirect.scatter.add.f32 [tilespmem:s23], [sflag:$0x4], $0x80, s5, s21, $0xb8;
	[tilespmem:$0x1E800] =	vst v63  }
0x4d: {  	_ =	swait.ge [sflag:s28], $0x4000  }
0x4e: {  	[sflag:s28] =	ssyncset.done $0x0  }
0x4f: {  	s0 =	simm.s32 $0x14180;
	s2 =	simm.s32 $0x400;
	[sflag:s28] =	ssyncadd.s32 $0xFFFFC000  }
.LBB2_4:
0x50: {  	[tilespmem:s23], [sflag:$0x2] =	stream.indirect.gather [hbm4b:s1+s21], $0x80, s0, s21, $0xb8;
	[tilespmem:$0x1E800] =	vst v63  }
0x51: {  	s0 =	smov.u32 s2  }
0x52: {  	p0 =	sne.s32 s2, $0x4800;
	s2 =	sadd.s32 $0x400, s2;
	_ =	swait.ge [sflag:s24], $0x4000  }
0x53: {  	s0 =	sshra.s32 s0, $0x2;
	[sflag:s24] =	ssyncset.done $0x0  }
0x54: {  	s4 =	sadd.s32 $0x15400, s0;
	[sflag:s24] =	ssyncadd.s32 $0xFFFFC000  }
0x55: {  	[spmem:s3] =	stream.indirect.scatter.add.f32 [tilespmem:s16], [sflag:$0x3], $0x80, s4, s21, $0xb8;
	[tilespmem:$0x1E800] =	vst v63  }
0x56: {  	_ =	swait.ge [sflag:s25], $0x4000  }
0x57: {  	[sflag:s25] =	ssyncset.done $0x0  }
0x58: {  	s4 =	sadd.s32 $0x14100, s0;
	[sflag:s25] =	ssyncadd.s32 $0xFFFFC000  }
0x59: {  	[tilespmem:s16], [sflag:$0x1] =	stream.indirect.gather [hbm4b:s1+s21], $0x80, s4, s21, $0xb8;
	[tilespmem:$0x1E800] =	vst v63  }
0x5a: {  	_ =	swait.ge [sflag:s26], $0x4000  }
0x5b: {  	[sflag:s26] =	ssyncset.done $0x0  }
.Ltmp1:
0x5c: {  	s4 =	sadd.s32 $0x15480, s0;
	[sflag:s26] =	ssyncadd.s32 $0xFFFFC000;
	(pc) =	sbr.rel @p0 .LBB2_4-.Ltmp1, $4  }
0x5d: {  	[spmem:s3] =	stream.indirect.scatter.add.f32 [tilespmem:s23], [sflag:$0x4], $0x80, s4, s21, $0xb8;
	[tilespmem:$0x1E800] =	vst v63  }
0x5e: {  	_ =	swait.ge [sflag:s28], $0x4000  }
0x5f: {  	[sflag:s28] =	ssyncset.done $0x0  }
0x60: {  	s0 =	sadd.s32 $0x14180, s0;
	[sflag:s28] =	ssyncadd.s32 $0xFFFFC000  }
0x61: {  	[tilespmem:s23], [sflag:$0x2] =	stream.indirect.gather [hbm4b:s1+s21], $0x80, s0, s21, $0xb8;
	[tilespmem:$0x1E800] =	vst v63  }
0x62: {  	_ =	swait.ge [sflag:s24], $0x4000  }
0x63: {  	[sflag:s24] =	ssyncset.done $0x0  }
0x64: {  	[sflag:s24] =	ssyncadd.s32 $0xFFFFC000  }
0x65: {  	[spmem:s3] =	stream.indirect.scatter.add.f32 [tilespmem:s16], [sflag:$0x3], $0x80, s29, s21, $0xb8;
	[tilespmem:$0x1E800] =	vst v63  }
0x66: {  	_ =	swait.ge [sflag:s25], $0x4000  }
0x67: {  	[sflag:s25] =	ssyncset.done $0x0  }
0x68: {  	[sflag:s25] =	ssyncadd.s32 $0xFFFFC000  }
0x69: {  	_ =	swait.ge [sflag:s26], $0x4000  }
0x6a: {  	[sflag:s26] =	ssyncset.done $0x0  }
0x6b: {  	[sflag:s26] =	ssyncadd.s32 $0xFFFFC000  }
0x6c: {  	[spmem:s3] =	stream.indirect.scatter.add.f32 [tilespmem:s23], [sflag:$0x4], $0x80, s30, s21, $0xb8;
	[tilespmem:$0x1E800] =	vst v63  }
0x6d: {  	_ =	swait.ge [sflag:s28], $0x4000  }
0x6e: {  	[sflag:s28] =	ssyncset.done $0x0  }
0x6f: {  	s5 =	simm.s32 $0x0;
	[sflag:s28] =	ssyncadd.s32 $0xFFFFC000  }
0x70: {  	[tilespmem:s18], [sflag:$0x5] =	stream.linear.gather [hbm4b:s7+s5], $0x1400, $0x38;
	[tilespmem:$0x1E800] =	vst v63  }
0x71: {  	_ =	swait.ge [sflag:s19], $0x1400  }
0x72: {  	[sflag:s19] =	ssyncset.done $0x0  }
0x73: {  	[sflag:s19] =	ssyncadd.s32 $0xFFFFEC00  }
0x74: {  	[tilespmem:s20], [sflag:$0x5] =	stream.linear.gather [hbm4b:s8+s5], $0x1400, $0x38;
	[tilespmem:$0x1E800] =	vst v63  }
0x75: {  	_ =	swait.ge [sflag:s19], $0x1400  }
0x76: {  	[sflag:s19] =	ssyncset.done $0x0  }
0x77: {  	[sflag:s19] =	ssyncadd.s32 $0xFFFFEC00  }
0x78: {  	[tilespmem:s16], [sflag:$0x1] =	stream.indirect.gather [hbm4b:s1+s21], $0x80, s18, s21, $0xb8;
	[tilespmem:$0x1E800] =	vst v63  }
0x79: {  	_ = 	snop  }
0x7a: {  	[tilespmem:s23], [sflag:$0x2] =	stream.indirect.gather [hbm4b:s1+s21], $0x80, s22, s21, $0xb8;
	[tilespmem:$0x1E800] =	vst v63  }
0x7b: {  	_ =	swait.ge [sflag:s24], $0x4000  }
0x7c: {  	[sflag:s24] =	ssyncset.done $0x0  }
0x7d: {  	s2 =	simm.s32 $0x15400;
	[sflag:s24] =	ssyncadd.s32 $0xFFFFC000  }
0x7e: {  	[spmem:s3] =	stream.indirect.scatter.add.f32 [tilespmem:s16], [sflag:$0x3], $0x80, s2, s21, $0xb8;
	[tilespmem:$0x1E800] =	vst v63  }
0x7f: {  	_ =	swait.ge [sflag:s25], $0x4000  }
0x80: {  	[sflag:s25] =	ssyncset.done $0x0  }
0x81: {  	s4 =	simm.s32 $0x14100;
	[sflag:s25] =	ssyncadd.s32 $0xFFFFC000  }
0x82: {  	[tilespmem:s16], [sflag:$0x1] =	stream.indirect.gather [hbm4b:s1+s21], $0x80, s4, s21, $0xb8;
	[tilespmem:$0x1E800] =	vst v63  }
0x83: {  	_ =	swait.ge [sflag:s26], $0x4000  }
0x84: {  	[sflag:s26] =	ssyncset.done $0x0  }
0x85: {  	s5 =	simm.s32 $0x15480;
	[sflag:s26] =	ssyncadd.s32 $0xFFFFC000  }
0x86: {  	[spmem:s3] =	stream.indirect.scatter.add.f32 [tilespmem:s23], [sflag:$0x4], $0x80, s5, s21, $0xb8;
	[tilespmem:$0x1E800] =	vst v63  }
0x87: {  	_ =	swait.ge [sflag:s28], $0x4000  }
0x88: {  	[sflag:s28] =	ssyncset.done $0x0  }
0x89: {  	s0 =	simm.s32 $0x14180;
	s2 =	simm.s32 $0x400;
	[sflag:s28] =	ssyncadd.s32 $0xFFFFC000  }
.LBB2_6:
0x8a: {  	[tilespmem:s23], [sflag:$0x2] =	stream.indirect.gather [hbm4b:s1+s21], $0x80, s0, s21, $0xb8;
	[tilespmem:$0x1E800] =	vst v63  }
0x8b: {  	s0 =	smov.u32 s2  }
0x8c: {  	p0 =	sne.s32 s2, $0x4800;
	s2 =	sadd.s32 $0x400, s2;
	_ =	swait.ge [sflag:s24], $0x4000  }
0x8d: {  	s0 =	sshra.s32 s0, $0x2;
	[sflag:s24] =	ssyncset.done $0x0  }
0x8e: {  	s4 =	sadd.s32 $0x15400, s0;
	[sflag:s24] =	ssyncadd.s32 $0xFFFFC000  }
0x8f: {  	[spmem:s3] =	stream.indirect.scatter.add.f32 [tilespmem:s16], [sflag:$0x3], $0x80, s4, s21, $0xb8;
	[tilespmem:$0x1E800] =	vst v63  }
0x90: {  	_ =	swait.ge [sflag:s25], $0x4000  }
0x91: {  	[sflag:s25] =	ssyncset.done $0x0  }
0x92: {  	s4 =	sadd.s32 $0x14100, s0;
	[sflag:s25] =	ssyncadd.s32 $0xFFFFC000  }
0x93: {  	[tilespmem:s16], [sflag:$0x1] =	stream.indirect.gather [hbm4b:s1+s21], $0x80, s4, s21, $0xb8;
	[tilespmem:$0x1E800] =	vst v63  }
0x94: {  	_ =	swait.ge [sflag:s26], $0x4000  }
0x95: {  	[sflag:s26] =	ssyncset.done $0x0  }
.Ltmp2:
0x96: {  	s4 =	sadd.s32 $0x15480, s0;
	[sflag:s26] =	ssyncadd.s32 $0xFFFFC000;
	(pc) =	sbr.rel @p0 .LBB2_6-.Ltmp2, $4  }
0x97: {  	[spmem:s3] =	stream.indirect.scatter.add.f32 [tilespmem:s23], [sflag:$0x4], $0x80, s4, s21, $0xb8;
	[tilespmem:$0x1E800] =	vst v63  }
0x98: {  	_ =	swait.ge [sflag:s28], $0x4000  }
0x99: {  	[sflag:s28] =	ssyncset.done $0x0  }
0x9a: {  	s0 =	sadd.s32 $0x14180, s0;
	[sflag:s28] =	ssyncadd.s32 $0xFFFFC000  }
0x9b: {  	[tilespmem:s23], [sflag:$0x2] =	stream.indirect.gather [hbm4b:s1+s21], $0x80, s0, s21, $0xb8;
	[tilespmem:$0x1E800] =	vst v63  }
0x9c: {  	_ =	swait.ge [sflag:s24], $0x4000  }
0x9d: {  	[sflag:s24] =	ssyncset.done $0x0  }
0x9e: {  	[sflag:s24] =	ssyncadd.s32 $0xFFFFC000  }
0x9f: {  	[spmem:s3] =	stream.indirect.scatter.add.f32 [tilespmem:s16], [sflag:$0x3], $0x80, s29, s21, $0xb8;
	[tilespmem:$0x1E800] =	vst v63  }
0xa0: {  	_ =	swait.ge [sflag:s25], $0x4000  }
0xa1: {  	[sflag:s25] =	ssyncset.done $0x0  }
0xa2: {  	[sflag:s25] =	ssyncadd.s32 $0xFFFFC000  }
0xa3: {  	_ =	swait.ge [sflag:s26], $0x4000  }
0xa4: {  	[sflag:s26] =	ssyncset.done $0x0  }
0xa5: {  	[sflag:s26] =	ssyncadd.s32 $0xFFFFC000  }
0xa6: {  	[spmem:s3] =	stream.indirect.scatter.add.f32 [tilespmem:s23], [sflag:$0x4], $0x80, s30, s21, $0xb8;
	[tilespmem:$0x1E800] =	vst v63  }
0xa7: {  	s5 =	stileid.u32;
	_ =	swait.ge [sflag:s28], $0x4000  }
0xa8: {  	s2 =	sshrl.u32 s9, $0x3;
	s31 =	sadd.s32 $0x1, s31;
	[sflag:s28] =	ssyncset.done $0x0  }
0xa9: {  	s0 =	sshll.u32 s5, $0x6;
	p0 =	sne.s32 s31, s11;
	[sflag:s28] =	ssyncadd.s32 $0xFFFFC000  }
.Ltmp3:
0xaa: {  	s0 =	sor.u32 $0x1C06, s0;
	[bflag:$0x0] =	sbarrier.arrive $0xFFFF;
	(pc) =	sbr.rel @p0 .LBB2_1-.Ltmp3, $4  }
0xab: {  	[hbm:s10], [sflag:s0] =	dma.local [spmem:s2], $0x2800  }
0xac: {  	_ =	swait.ge [sflag:s17], $0x2800  }
0xad: {  	[sflag:s17] =	ssyncset.done $0x0  }
0xae: {  	[sflag:s17] =	ssyncadd.s32 $0xFFFFD800  }
0xaf: {  	_ =	sfence.sel $0x180000  }
0xb0: {  	[bflag:$0x0] =	sbarrier.arrive $0xFFFF  }
0xb1: {  	_ =	strace $0x90000047  }
0xb2: {  	s0 =	stileid.u32;
	[bflag:$0x2] =	sbarrier.arrive $0xFFFF  }
0xb3: {  	p0 =	sne.s32 s0, $0x0;
	s0 =	rddreg [dreg:$0x5]  }
0xb4: {  	s0 =	sadd.s32 @!p0 $0x100000, s0  }
0xb5: {  	[sflag:s0] =	ssyncadd.tile.s32 @!p0 $0x1;
	_ =	shalt  }
.Lfunc_end2:
_tile_overlayer_lowered:
.L_overlay_start_2:
0xb6: {  	(tag) =	ssettag $0x2  }
0xb7: {  	s0 =	rddreg [dreg:$0x0];
	s2 =	stileid.u32  }
0xb8: {  	s1 =	rddreg [dreg:$0x1];
	p0 =	sne.s32 s2, $0x0  }
0xb9: {  	s3 =	rddreg [dreg:$0x2];
	[bflag:$0x3] =	sbarrier.arrive $0xFFFF;
	s2 =	simm.s32 @!p0 $0x1C06  }
0xba: {  	[timem:s3], [sflag:s2] =	dma.local @!p0 [hbm:s0], s1  }
0xbb: {  	s0 =	simm.s32 @!p0 $0x6  }
0xbc: {  	_ =	swait.ge @!p0 [sflag:s0], s1  }
0xbd: {  	s1 =	ssub.s32 @!p0 $0x0, s1;
	[sflag:s0] =	ssyncset.done @!p0 $0x0  }
0xbe: {  	[sflag:s0] =	ssyncadd.s32 @!p0 s1  }
0xbf: {  	[bflag:$0x3] =	sbarrier.arrive $0xFFFF  }
0xc0: {  	_ =	shalt  }

</sc_bundles>
